<compile_context>
chip_gen: v7x
topology: tpu7x:2x2x1
jax: 0.10.2.dev20260603
libtpu: 0.0.44.dev20260713+nightly
codegen_flags: <defaults>
</compile_context>

<pallas_src>
import functools

import jax
import jax.numpy as jnp
from jax import lax
from jax.experimental import pallas as pl
from jax.experimental.pallas import tpu as pltpu
from jax.experimental.pallas import tpu_sc as plsc

_B = 16
_P = 1024
_D = 96
_L = 16
_TROWS = _B * _D
_NC = 2
_NS = 16
_NW = _NC * _NS
_RPW = _TROWS // _NW
_CH = 8
_NCH = _RPW // _CH
_NBUF = 4

_mesh = plsc.VectorSubcoreMesh(core_axis_name="c", subcore_axis_name="s")


@functools.partial(
    pl.kernel,
    mesh=_mesh,
    out_type=jax.ShapeDtypeStruct((_TROWS, _P), jnp.float32),
    scratch_types=[
        [pltpu.VMEM((_CH, _P), jnp.float32) for _ in range(_NBUF)],
        pltpu.VMEM((_D,), jnp.float32),
        pltpu.VMEM((_RPW, _L), jnp.float32),
        [pltpu.SemaphoreType.DMA for _ in range(_NBUF)],
        [pltpu.SemaphoreType.DMA for _ in range(_NBUF)],
    ],
    compiler_params=pltpu.CompilerParams(use_tc_tiling_on_sc=True),
)
def _encode(patch_hbm, pos_hbm, out_hbm, bufs, posv, splats, lsems, ssems):
    wid = lax.axis_index("s") * _NC + lax.axis_index("c")
    base = wid * _RPW
    dbase = (wid % 2) * _RPW

    loads = [None] * _NCH
    stores = [None] * _NCH
    for c in range(2):
        loads[c] = pltpu.async_copy(
            patch_hbm.at[pl.ds(base + c * _CH, _CH)], bufs[c], lsems[c])

    pltpu.sync_copy(pos_hbm, posv)
    for g in range(_RPW // _L):
        vg = posv[pl.ds(dbase + g * _L, _L)]
        for k in range(_L):
            splats[g * _L + k, :] = lax.broadcast(vg[k], (_L,))

    for c in range(_NCH):
        b = c % _NBUF
        look = c + 2
        if look < _NCH:
            lb = look % _NBUF
            if look - _NBUF >= 0:
                stores[look - _NBUF].wait()
            loads[look] = pltpu.async_copy(
                patch_hbm.at[pl.ds(base + look * _CH, _CH)], bufs[lb], lsems[lb])
        loads[c].wait()
        buf = bufs[b]

        pvs = [splats[c * _CH + r, :] for r in range(_CH)]

        def col(j, carry, buf=buf, pvs=pvs):
            o = j * _L
            for r in range(_CH):
                buf[r, pl.ds(o, _L)] += pvs[r]
            return carry

        lax.fori_loop(0, _P // _L, col, 0)
        stores[c] = pltpu.async_copy(
            buf, out_hbm.at[pl.ds(base + c * _CH, _CH)], ssems[b])

    for c in range(_NCH - _NBUF, _NCH):
        stores[c].wait()


def kernel(patch, pos_table):
    pt = patch.transpose(0, 2, 1).reshape(_TROWS, _P)
    out = _encode(pt, pos_table[0])
    return out.reshape(_B, _D, _P).transpose(0, 2, 1)

# --- scband reference (transcript-rebuilt; emitter-appended) ---
"""Pipeline reference for scband-patch-encoder-10170482557106 (READ-ONLY COPY).

The authoritative reference and input builder live on the scoring server;
editing this copy changes nothing except your own understanding.
"""

import jax, jax.numpy as jnp
import numpy as np

NUM_PATCHES = 1024
PROJECTION_DIM = 96
BATCH = 16

def setup_inputs(seed: int = 0) -> dict:
    key = jax.random.key(seed)
    k1, k2 = jax.random.split(key)
    patch = jax.random.normal(k1, (BATCH, NUM_PATCHES, PROJECTION_DIM), dtype=jnp.float32)
    # Embedding table: Keras Embedding default init is uniform(-0.05, 0.05)
    pos_table = jax.random.uniform(k2, (NUM_PATCHES, PROJECTION_DIM), dtype=jnp.float32, minval=-0.05, maxval=0.05)
    return {"patch": patch, "pos_table": pos_table}

def reference(patch, pos_table):
    # Faithful to the original: positions = tf.zeros(num_patches, dtype=int32)
    # i.e., an embedding LOOKUP of index 0 repeated num_patches times (not tf.range).
    positions = jnp.zeros((NUM_PATCHES,), dtype=jnp.int32)
    pos_emb = jnp.take(pos_table, positions, axis=0)  # [num_patches, projection_dim]
    # Reshape((-1, projection_dim)) keeps the batch dim and flattens the rest
    proj = patch.reshape(patch.shape[0], -1, PROJECTION_DIM)
    encoded = proj + pos_emb[None, :, :]
    return encoded

if __name__ == "__main__":
    import jax
    _d = setup_inputs()
    print(jax.jit(kernel)(*tuple(_d.values())))

</pallas_src>

<mosaic_0001>
#map = affine_map<(d0, d1) -> (0, 0)>
#map1 = affine_map<(d0, d1) -> (0)>
module attributes {stable_mosaic.version = 14 : i64} {
  func.func @_encode(%arg0: i32, %arg1: i32, %arg2: memref<1536x1024xf32, #tpu.memory_space<hbm>>, %arg3: memref<96xf32, #tpu.memory_space<hbm>>, %arg4: memref<1536x1024xf32, #tpu.memory_space<hbm>>, %arg5: memref<8x1024xf32, #tpu.memory_space<vmem>>, %arg6: memref<8x1024xf32, #tpu.memory_space<vmem>>, %arg7: memref<8x1024xf32, #tpu.memory_space<vmem>>, %arg8: memref<8x1024xf32, #tpu.memory_space<vmem>>, %arg9: memref<96xf32, #tpu.memory_space<vmem>>, %arg10: memref<48x16xf32, #tpu.memory_space<vmem>>, %arg11: memref<!tpu.dma_semaphore, #tpu.memory_space<semaphore_mem>>, %arg12: memref<!tpu.dma_semaphore, #tpu.memory_space<semaphore_mem>>, %arg13: memref<!tpu.dma_semaphore, #tpu.memory_space<semaphore_mem>>, %arg14: memref<!tpu.dma_semaphore, #tpu.memory_space<semaphore_mem>>, %arg15: memref<!tpu.dma_semaphore, #tpu.memory_space<semaphore_mem>>, %arg16: memref<!tpu.dma_semaphore, #tpu.memory_space<semaphore_mem>>, %arg17: memref<!tpu.dma_semaphore, #tpu.memory_space<semaphore_mem>>, %arg18: memref<!tpu.dma_semaphore, #tpu.memory_space<semaphore_mem>>) attributes {dimension_semantics = [#tpu.dimension_semantics<core_parallel>, #tpu.dimension_semantics<subcore_parallel>], iteration_bounds = array<i64: 2, 16>, scalar_prefetch = 0 : i64, scratch_operands = 14 : i64, tpu.core_type = #tpu.core_type<sc_vector_subcore>, window_params = [{transform_indices = #map}, {transform_indices = #map1}, {transform_indices = #map}]} {
    %mul3A = arith.constant 2 : i32
    %mul3A_0 = arith.muli %arg1, %mul3A : i32
    %add3A = arith.addi %mul3A_0, %arg0 : i32
    %mul3A_1 = arith.constant 48 : i32
    %mul3A_2 = arith.muli %add3A, %mul3A_1 : i32
    %jit3A = arith.constant 2 : i32
    %eq3A = arith.constant 0 : i32
    %eq3A_3 = arith.cmpi eq, %jit3A, %eq3A : i32
    %jit3A_4 = arith.constant 1 : i32
    %select_n3A = arith.select %eq3A_3, %jit3A_4, %jit3A : i32
    %rem3A = arith.remsi %add3A, %select_n3A : i32
    %ne3A = arith.constant 0 : i32
    %ne3A_5 = arith.cmpi ne, %rem3A, %ne3A : i32
    %lt3A = arith.constant 0 : i32
    %lt3A_6 = arith.cmpi slt, %rem3A, %lt3A : i32
    %lt3A_7 = arith.constant 0 : i32
    %lt3A_8 = arith.cmpi slt, %select_n3A, %lt3A_7 : i32
    %ne3A_9 = arith.xori %lt3A_6, %lt3A_8 : i1
    %and3A = arith.andi %ne3A_9, %ne3A_5 : i1
    %add3A_10 = arith.addi %rem3A, %select_n3A : i32
    %select_n3A_11 = arith.select %and3A, %add3A_10, %rem3A : i32
    %mul3A_12 = arith.constant 48 : i32
    %mul3A_13 = arith.muli %select_n3A_11, %mul3A_12 : i32
    %add3A_14 = arith.constant 0 : i32
    %add3A_15 = arith.addi %mul3A_2, %add3A_14 : i32
    %dma_start3A = arith.constant 0 : i32
    %dma_start3A_16 = tpu.memref_slice %arg2[%add3A_15, %dma_start3A] : memref<1536x1024xf32, #tpu.memory_space<hbm>> -> memref<8x1024xf32, #tpu.memory_space<hbm>>
    %dma_start3A_17 = arith.constant 0 : i32
    %dma_start3A_18 = tpu.memref_slice %arg2[%add3A_15, %dma_start3A_17] : memref<1536x1024xf32, #tpu.memory_space<hbm>> -> memref<8x1024xf32, #tpu.memory_space<hbm>>
    tpu.enqueue_dma source(%dma_start3A_18 : memref<8x1024xf32, #tpu.memory_space<hbm>>) target(%arg5 : memref<8x1024xf32, #tpu.memory_space<vmem>>) target_semaphore(%arg11 : memref<!tpu.dma_semaphore, #tpu.memory_space<semaphore_mem>>)
    %add3A_19 = arith.constant 8 : i32
    %add3A_20 = arith.addi %mul3A_2, %add3A_19 : i32
    %dma_start3A_21 = arith.constant 0 : i32
    %dma_start3A_22 = tpu.memref_slice %arg2[%add3A_20, %dma_start3A_21] : memref<1536x1024xf32, #tpu.memory_space<hbm>> -> memref<8x1024xf32, #tpu.memory_space<hbm>>
    %dma_start3A_23 = arith.constant 0 : i32
    %dma_start3A_24 = tpu.memref_slice %arg2[%add3A_20, %dma_start3A_23] : memref<1536x1024xf32, #tpu.memory_space<hbm>> -> memref<8x1024xf32, #tpu.memory_space<hbm>>
    tpu.enqueue_dma source(%dma_start3A_24 : memref<8x1024xf32, #tpu.memory_space<hbm>>) target(%arg6 : memref<8x1024xf32, #tpu.memory_space<vmem>>) target_semaphore(%arg12 : memref<!tpu.dma_semaphore, #tpu.memory_space<semaphore_mem>>)
    "tpu.region"() ({
      %run_scoped3A = tpu.sem_alloc : memref<!tpu.dma_semaphore, #tpu.memory_space<semaphore_mem>>
      tpu.enqueue_dma source(%arg3 : memref<96xf32, #tpu.memory_space<hbm>>) target(%arg9 : memref<96xf32, #tpu.memory_space<vmem>>) target_semaphore(%run_scoped3A : memref<!tpu.dma_semaphore, #tpu.memory_space<semaphore_mem>>)
      tpu.wait_dma2 semaphore(%run_scoped3A : memref<!tpu.dma_semaphore, #tpu.memory_space<semaphore_mem>>) src(%arg3 : memref<96xf32, #tpu.memory_space<hbm>>) dst(%arg9 : memref<96xf32, #tpu.memory_space<vmem>>)
      tpu.yield
    }) : () -> ()
    %add3A_25 = arith.constant 0 : i32
    %add3A_26 = arith.addi %mul3A_13, %add3A_25 : i32
    %get3A = arith.index_cast %add3A_26 : i32 to index
    %get3A_27 = tpu.vector_load %arg9[%get3A] {strides = array<i32>} : memref<96xf32, #tpu.memory_space<vmem>>, vector<16xf32>,
    %get3A_28 = vector.shape_cast %get3A_27 : vector<16xf32> to vector<16xf32>
    %slice3A = vector.extract_strided_slice %get3A_28 {offsets = [0], sizes = [1], strides = [1]} : vector<16xf32> to vector<1xf32>
    %squeeze3A = vector.extract %slice3A[0] : f32 from vector<1xf32>
    %broadcast_in_dim3A = vector.broadcast %squeeze3A : f32 to vector<16xf32>
    %swap3A = arith.constant 0 : i32
    %swap3A_29 = arith.index_cast %swap3A : i32 to index
    %swap3A_30 = arith.constant 0 : index
    %swap3A_31 = tpu.vector_load %arg10[%swap3A_29, %swap3A_30] {strides = array<i32>} : memref<48x16xf32, #tpu.memory_space<vmem>>, vector<1x16xf32>,
    %swap3A_32 = vector.shape_cast %swap3A_31 : vector<1x16xf32> to vector<16xf32>
    %swap3A_33 = vector.shape_cast %broadcast_in_dim3A : vector<16xf32> to vector<1x16xf32>
    tpu.vector_store %arg10[%swap3A_29, %swap3A_30], %swap3A_33 {strides = array<i32>} : memref<48x16xf32, #tpu.memory_space<vmem>>, vector<1x16xf32>,
    %slice3A_34 = vector.extract_strided_slice %get3A_28 {offsets = [1], sizes = [1], strides = [1]} : vector<16xf32> to vector<1xf32>
    %squeeze3A_35 = vector.extract %slice3A_34[0] : f32 from vector<1xf32>
    %broadcast_in_dim3A_36 = vector.broadcast %squeeze3A_35 : f32 to vector<16xf32>
    %swap3A_37 = arith.constant 1 : i32
    %swap3A_38 = arith.index_cast %swap3A_37 : i32 to index
    %swap3A_39 = arith.constant 0 : index
    %swap3A_40 = tpu.vector_load %arg10[%swap3A_38, %swap3A_39] {strides = array<i32>} : memref<48x16xf32, #tpu.memory_space<vmem>>, vector<1x16xf32>,
    %swap3A_41 = vector.shape_cast %swap3A_40 : vector<1x16xf32> to vector<16xf32>
    %swap3A_42 = vector.shape_cast %broadcast_in_dim3A_36 : vector<16xf32> to vector<1x16xf32>
    tpu.vector_store %arg10[%swap3A_38, %swap3A_39], %swap3A_42 {strides = array<i32>} : memref<48x16xf32, #tpu.memory_space<vmem>>, vector<1x16xf32>,
    %slice3A_43 = vector.extract_strided_slice %get3A_28 {offsets = [2], sizes = [1], strides = [1]} : vector<16xf32> to vector<1xf32>
    %squeeze3A_44 = vector.extract %slice3A_43[0] : f32 from vector<1xf32>
    %broadcast_in_dim3A_45 = vector.broadcast %squeeze3A_44 : f32 to vector<16xf32>
    %swap3A_46 = arith.constant 2 : i32
    %swap3A_47 = arith.index_cast %swap3A_46 : i32 to index
    %swap3A_48 = arith.constant 0 : index
    %swap3A_49 = tpu.vector_load %arg10[%swap3A_47, %swap3A_48] {strides = array<i32>} : memref<48x16xf32, #tpu.memory_space<vmem>>, vector<1x16xf32>,
    %swap3A_50 = vector.shape_cast %swap3A_49 : vector<1x16xf32> to vector<16xf32>
    %swap3A_51 = vector.shape_cast %broadcast_in_dim3A_45 : vector<16xf32> to vector<1x16xf32>
    tpu.vector_store %arg10[%swap3A_47, %swap3A_48], %swap3A_51 {strides = array<i32>} : memref<48x16xf32, #tpu.memory_space<vmem>>, vector<1x16xf32>,
    %slice3A_52 = vector.extract_strided_slice %get3A_28 {offsets = [3], sizes = [1], strides = [1]} : vector<16xf32> to vector<1xf32>
    %squeeze3A_53 = vector.extract %slice3A_52[0] : f32 from vector<1xf32>
    %broadcast_in_dim3A_54 = vector.broadcast %squeeze3A_53 : f32 to vector<16xf32>
    %swap3A_55 = arith.constant 3 : i32
    %swap3A_56 = arith.index_cast %swap3A_55 : i32 to index
    %swap3A_57 = arith.constant 0 : index
    %swap3A_58 = tpu.vector_load %arg10[%swap3A_56, %swap3A_57] {strides = array<i32>} : memref<48x16xf32, #tpu.memory_space<vmem>>, vector<1x16xf32>,
    %swap3A_59 = vector.shape_cast %swap3A_58 : vector<1x16xf32> to vector<16xf32>
    %swap3A_60 = vector.shape_cast %broadcast_in_dim3A_54 : vector<16xf32> to vector<1x16xf32>
    tpu.vector_store %arg10[%swap3A_56, %swap3A_57], %swap3A_60 {strides = array<i32>} : memref<48x16xf32, #tpu.memory_space<vmem>>, vector<1x16xf32>,
    %slice3A_61 = vector.extract_strided_slice %get3A_28 {offsets = [4], sizes = [1], strides = [1]} : vector<16xf32> to vector<1xf32>
    %squeeze3A_62 = vector.extract %slice3A_61[0] : f32 from vector<1xf32>
    %broadcast_in_dim3A_63 = vector.broadcast %squeeze3A_62 : f32 to vector<16xf32>
    %swap3A_64 = arith.constant 4 : i32
    %swap3A_65 = arith.index_cast %swap3A_64 : i32 to index
    %swap3A_66 = arith.constant 0 : index
    %swap3A_67 = tpu.vector_load %arg10[%swap3A_65, %swap3A_66] {strides = array<i32>} : memref<48x16xf32, #tpu.memory_space<vmem>>, vector<1x16xf32>,
    %swap3A_68 = vector.shape_cast %swap3A_67 : vector<1x16xf32> to vector<16xf32>
    %swap3A_69 = vector.shape_cast %broadcast_in_dim3A_63 : vector<16xf32> to vector<1x16xf32>
    tpu.vector_store %arg10[%swap3A_65, %swap3A_66], %swap3A_69 {strides = array<i32>} : memref<48x16xf32, #tpu.memory_space<vmem>>, vector<1x16xf32>,
    %slice3A_70 = vector.extract_strided_slice %get3A_28 {offsets = [5], sizes = [1], strides = [1]} : vector<16xf32> to vector<1xf32>
    %squeeze3A_71 = vector.extract %slice3A_70[0] : f32 from vector<1xf32>
    %broadcast_in_dim3A_72 = vector.broadcast %squeeze3A_71 : f32 to vector<16xf32>
    %swap3A_73 = arith.constant 5 : i32
    %swap3A_74 = arith.index_cast %swap3A_73 : i32 to index
    %swap3A_75 = arith.constant 0 : index
    %swap3A_76 = tpu.vector_load %arg10[%swap3A_74, %swap3A_75] {strides = array<i32>} : memref<48x16xf32, #tpu.memory_space<vmem>>, vector<1x16xf32>,
    %swap3A_77 = vector.shape_cast %swap3A_76 : vector<1x16xf32> to vector<16xf32>
    %swap3A_78 = vector.shape_cast %broadcast_in_dim3A_72 : vector<16xf32> to vector<1x16xf32>
    tpu.vector_store %arg10[%swap3A_74, %swap3A_75], %swap3A_78 {strides = array<i32>} : memref<48x16xf32, #tpu.memory_space<vmem>>, vector<1x16xf32>,
    %slice3A_79 = vector.extract_strided_slice %get3A_28 {offsets = [6], sizes = [1], strides = [1]} : vector<16xf32> to vector<1xf32>
    %squeeze3A_80 = vector.extract %slice3A_79[0] : f32 from vector<1xf32>
    %broadcast_in_dim3A_81 = vector.broadcast %squeeze3A_80 : f32 to vector<16xf32>
    %swap3A_82 = arith.constant 6 : i32
    %swap3A_83 = arith.index_cast %swap3A_82 : i32 to index
    %swap3A_84 = arith.constant 0 : index
    %swap3A_85 = tpu.vector_load %arg10[%swap3A_83, %swap3A_84] {strides = array<i32>} : memref<48x16xf32, #tpu.memory_space<vmem>>, vector<1x16xf32>,
    %swap3A_86 = vector.shape_cast %swap3A_85 : vector<1x16xf32> to vector<16xf32>
    %swap3A_87 = vector.shape_cast %broadcast_in_dim3A_81 : vector<16xf32> to vector<1x16xf32>
    tpu.vector_store %arg10[%swap3A_83, %swap3A_84], %swap3A_87 {strides = array<i32>} : memref<48x16xf32, #tpu.memory_space<vmem>>, vector<1x16xf32>,
    %slice3A_88 = vector.extract_strided_slice %get3A_28 {offsets = [7], sizes = [1], strides = [1]} : vector<16xf32> to vector<1xf32>
    %squeeze3A_89 = vector.extract %slice3A_88[0] : f32 from vector<1xf32>
    %broadcast_in_dim3A_90 = vector.broadcast %squeeze3A_89 : f32 to vector<16xf32>
    %swap3A_91 = arith.constant 7 : i32
    %swap3A_92 = arith.index_cast %swap3A_91 : i32 to index
    %swap3A_93 = arith.constant 0 : index
    %swap3A_94 = tpu.vector_load %arg10[%swap3A_92, %swap3A_93] {strides = array<i32>} : memref<48x16xf32, #tpu.memory_space<vmem>>, vector<1x16xf32>,
    %swap3A_95 = vector.shape_cast %swap3A_94 : vector<1x16xf32> to vector<16xf32>
    %swap3A_96 = vector.shape_cast %broadcast_in_dim3A_90 : vector<16xf32> to vector<1x16xf32>
    tpu.vector_store %arg10[%swap3A_92, %swap3A_93], %swap3A_96 {strides = array<i32>} : memref<48x16xf32, #tpu.memory_space<vmem>>, vector<1x16xf32>,
    %slice3A_97 = vector.extract_strided_slice %get3A_28 {offsets = [8], sizes = [1], strides = [1]} : vector<16xf32> to vector<1xf32>
    %squeeze3A_98 = vector.extract %slice3A_97[0] : f32 from vector<1xf32>
    %broadcast_in_dim3A_99 = vector.broadcast %squeeze3A_98 : f32 to vector<16xf32>
    %swap3A_100 = arith.constant 8 : i32
    %swap3A_101 = arith.index_cast %swap3A_100 : i32 to index
    %swap3A_102 = arith.constant 0 : index
    %swap3A_103 = tpu.vector_load %arg10[%swap3A_101, %swap3A_102] {strides = array<i32>} : memref<48x16xf32, #tpu.memory_space<vmem>>, vector<1x16xf32>,
    %swap3A_104 = vector.shape_cast %swap3A_103 : vector<1x16xf32> to vector<16xf32>
    %swap3A_105 = vector.shape_cast %broadcast_in_dim3A_99 : vector<16xf32> to vector<1x16xf32>
    tpu.vector_store %arg10[%swap3A_101, %swap3A_102], %swap3A_105 {strides = array<i32>} : memref<48x16xf32, #tpu.memory_space<vmem>>, vector<1x16xf32>,
    %slice3A_106 = vector.extract_strided_slice %get3A_28 {offsets = [9], sizes = [1], strides = [1]} : vector<16xf32> to vector<1xf32>
    %squeeze3A_107 = vector.extract %slice3A_106[0] : f32 from vector<1xf32>
    %broadcast_in_dim3A_108 = vector.broadcast %squeeze3A_107 : f32 to vector<16xf32>
    %swap3A_109 = arith.constant 9 : i32
    %swap3A_110 = arith.index_cast %swap3A_109 : i32 to index
    %swap3A_111 = arith.constant 0 : index
    %swap3A_112 = tpu.vector_load %arg10[%swap3A_110, %swap3A_111] {strides = array<i32>} : memref<48x16xf32, #tpu.memory_space<vmem>>, vector<1x16xf32>,
    %swap3A_113 = vector.shape_cast %swap3A_112 : vector<1x16xf32> to vector<16xf32>
    %swap3A_114 = vector.shape_cast %broadcast_in_dim3A_108 : vector<16xf32> to vector<1x16xf32>
    tpu.vector_store %arg10[%swap3A_110, %swap3A_111], %swap3A_114 {strides = array<i32>} : memref<48x16xf32, #tpu.memory_space<vmem>>, vector<1x16xf32>,
    %slice3A_115 = vector.extract_strided_slice %get3A_28 {offsets = [10], sizes = [1], strides = [1]} : vector<16xf32> to vector<1xf32>
    %squeeze3A_116 = vector.extract %slice3A_115[0] : f32 from vector<1xf32>
    %broadcast_in_dim3A_117 = vector.broadcast %squeeze3A_116 : f32 to vector<16xf32>
    %swap3A_118 = arith.constant 10 : i32
    %swap3A_119 = arith.index_cast %swap3A_118 : i32 to index
    %swap3A_120 = arith.constant 0 : index
    %swap3A_121 = tpu.vector_load %arg10[%swap3A_119, %swap3A_120] {strides = array<i32>} : memref<48x16xf32, #tpu.memory_space<vmem>>, vector<1x16xf32>,
    %swap3A_122 = vector.shape_cast %swap3A_121 : vector<1x16xf32> to vector<16xf32>
    %swap3A_123 = vector.shape_cast %broadcast_in_dim3A_117 : vector<16xf32> to vector<1x16xf32>
    tpu.vector_store %arg10[%swap3A_119, %swap3A_120], %swap3A_123 {strides = array<i32>} : memref<48x16xf32, #tpu.memory_space<vmem>>, vector<1x16xf32>,
    %slice3A_124 = vector.extract_strided_slice %get3A_28 {offsets = [11], sizes = [1], strides = [1]} : vector<16xf32> to vector<1xf32>
    %squeeze3A_125 = vector.extract %slice3A_124[0] : f32 from vector<1xf32>
    %broadcast_in_dim3A_126 = vector.broadcast %squeeze3A_125 : f32 to vector<16xf32>
    %swap3A_127 = arith.constant 11 : i32
    %swap3A_128 = arith.index_cast %swap3A_127 : i32 to index
    %swap3A_129 = arith.constant 0 : index
    %swap3A_130 = tpu.vector_load %arg10[%swap3A_128, %swap3A_129] {strides = array<i32>} : memref<48x16xf32, #tpu.memory_space<vmem>>, vector<1x16xf32>,
    %swap3A_131 = vector.shape_cast %swap3A_130 : vector<1x16xf32> to vector<16xf32>
    %swap3A_132 = vector.shape_cast %broadcast_in_dim3A_126 : vector<16xf32> to vector<1x16xf32>
    tpu.vector_store %arg10[%swap3A_128, %swap3A_129], %swap3A_132 {strides = array<i32>} : memref<48x16xf32, #tpu.memory_space<vmem>>, vector<1x16xf32>,
    %slice3A_133 = vector.extract_strided_slice %get3A_28 {offsets = [12], sizes = [1], strides = [1]} : vector<16xf32> to vector<1xf32>
    %squeeze3A_134 = vector.extract %slice3A_133[0] : f32 from vector<1xf32>
    %broadcast_in_dim3A_135 = vector.broadcast %squeeze3A_134 : f32 to vector<16xf32>
    %swap3A_136 = arith.constant 12 : i32
    %swap3A_137 = arith.index_cast %swap3A_136 : i32 to index
    %swap3A_138 = arith.constant 0 : index
    %swap3A_139 = tpu.vector_load %arg10[%swap3A_137, %swap3A_138] {strides = array<i32>} : memref<48x16xf32, #tpu.memory_space<vmem>>, vector<1x16xf32>,
    %swap3A_140 = vector.shape_cast %swap3A_139 : vector<1x16xf32> to vector<16xf32>
    %swap3A_141 = vector.shape_cast %broadcast_in_dim3A_135 : vector<16xf32> to vector<1x16xf32>
    tpu.vector_store %arg10[%swap3A_137, %swap3A_138], %swap3A_141 {strides = array<i32>} : memref<48x16xf32, #tpu.memory_space<vmem>>, vector<1x16xf32>,
    %slice3A_142 = vector.extract_strided_slice %get3A_28 {offsets = [13], sizes = [1], strides = [1]} : vector<16xf32> to vector<1xf32>
    %squeeze3A_143 = vector.extract %slice3A_142[0] : f32 from vector<1xf32>
    %broadcast_in_dim3A_144 = vector.broadcast %squeeze3A_143 : f32 to vector<16xf32>
    %swap3A_145 = arith.constant 13 : i32
    %swap3A_146 = arith.index_cast %swap3A_145 : i32 to index
    %swap3A_147 = arith.constant 0 : index
    %swap3A_148 = tpu.vector_load %arg10[%swap3A_146, %swap3A_147] {strides = array<i32>} : memref<48x16xf32, #tpu.memory_space<vmem>>, vector<1x16xf32>,
    %swap3A_149 = vector.shape_cast %swap3A_148 : vector<1x16xf32> to vector<16xf32>
    %swap3A_150 = vector.shape_cast %broadcast_in_dim3A_144 : vector<16xf32> to vector<1x16xf32>
    tpu.vector_store %arg10[%swap3A_146, %swap3A_147], %swap3A_150 {strides = array<i32>} : memref<48x16xf32, #tpu.memory_space<vmem>>, vector<1x16xf32>,
    %slice3A_151 = vector.extract_strided_slice %get3A_28 {offsets = [14], sizes = [1], strides = [1]} : vector<16xf32> to vector<1xf32>
    %squeeze3A_152 = vector.extract %slice3A_151[0] : f32 from vector<1xf32>
    %broadcast_in_dim3A_153 = vector.broadcast %squeeze3A_152 : f32 to vector<16xf32>
    %swap3A_154 = arith.constant 14 : i32
    %swap3A_155 = arith.index_cast %swap3A_154 : i32 to index
    %swap3A_156 = arith.constant 0 : index
    %swap3A_157 = tpu.vector_load %arg10[%swap3A_155, %swap3A_156] {strides = array<i32>} : memref<48x16xf32, #tpu.memory_space<vmem>>, vector<1x16xf32>,
    %swap3A_158 = vector.shape_cast %swap3A_157 : vector<1x16xf32> to vector<16xf32>
    %swap3A_159 = vector.shape_cast %broadcast_in_dim3A_153 : vector<16xf32> to vector<1x16xf32>
    tpu.vector_store %arg10[%swap3A_155, %swap3A_156], %swap3A_159 {strides = array<i32>} : memref<48x16xf32, #tpu.memory_space<vmem>>, vector<1x16xf32>,
    %slice3A_160 = vector.extract_strided_slice %get3A_28 {offsets = [15], sizes = [1], strides = [1]} : vector<16xf32> to vector<1xf32>
    %squeeze3A_161 = vector.extract %slice3A_160[0] : f32 from vector<1xf32>
    %broadcast_in_dim3A_162 = vector.broadcast %squeeze3A_161 : f32 to vector<16xf32>
    %swap3A_163 = arith.constant 15 : i32
    %swap3A_164 = arith.index_cast %swap3A_163 : i32 to index
    %swap3A_165 = arith.constant 0 : index
    %swap3A_166 = tpu.vector_load %arg10[%swap3A_164, %swap3A_165] {strides = array<i32>} : memref<48x16xf32, #tpu.memory_space<vmem>>, vector<1x16xf32>,
    %swap3A_167 = vector.shape_cast %swap3A_166 : vector<1x16xf32> to vector<16xf32>
    %swap3A_168 = vector.shape_cast %broadcast_in_dim3A_162 : vector<16xf32> to vector<1x16xf32>
    tpu.vector_store %arg10[%swap3A_164, %swap3A_165], %swap3A_168 {strides = array<i32>} : memref<48x16xf32, #tpu.memory_space<vmem>>, vector<1x16xf32>,
    %add3A_169 = arith.constant 16 : i32
    %add3A_170 = arith.addi %mul3A_13, %add3A_169 : i32
    %get3A_171 = arith.index_cast %add3A_170 : i32 to index
    %get3A_172 = tpu.vector_load %arg9[%get3A_171] {strides = array<i32>} : memref<96xf32, #tpu.memory_space<vmem>>, vector<16xf32>,
    %get3A_173 = vector.shape_cast %get3A_172 : vector<16xf32> to vector<16xf32>
    %slice3A_174 = vector.extract_strided_slice %get3A_173 {offsets = [0], sizes = [1], strides = [1]} : vector<16xf32> to vector<1xf32>
    %squeeze3A_175 = vector.extract %slice3A_174[0] : f32 from vector<1xf32>
    %broadcast_in_dim3A_176 = vector.broadcast %squeeze3A_175 : f32 to vector<16xf32>
    %swap3A_177 = arith.constant 16 : i32
    %swap3A_178 = arith.index_cast %swap3A_177 : i32 to index
    %swap3A_179 = arith.constant 0 : index
    %swap3A_180 = tpu.vector_load %arg10[%swap3A_178, %swap3A_179] {strides = array<i32>} : memref<48x16xf32, #tpu.memory_space<vmem>>, vector<1x16xf32>,
    %swap3A_181 = vector.shape_cast %swap3A_180 : vector<1x16xf32> to vector<16xf32>
    %swap3A_182 = vector.shape_cast %broadcast_in_dim3A_176 : vector<16xf32> to vector<1x16xf32>
    tpu.vector_store %arg10[%swap3A_178, %swap3A_179], %swap3A_182 {strides = array<i32>} : memref<48x16xf32, #tpu.memory_space<vmem>>, vector<1x16xf32>,
    %slice3A_183 = vector.extract_strided_slice %get3A_173 {offsets = [1], sizes = [1], strides = [1]} : vector<16xf32> to vector<1xf32>
    %squeeze3A_184 = vector.extract %slice3A_183[0] : f32 from vector<1xf32>
    %broadcast_in_dim3A_185 = vector.broadcast %squeeze3A_184 : f32 to vector<16xf32>
    %swap3A_186 = arith.constant 17 : i32
    %swap3A_187 = arith.index_cast %swap3A_186 : i32 to index
    %swap3A_188 = arith.constant 0 : index
    %swap3A_189 = tpu.vector_load %arg10[%swap3A_187, %swap3A_188] {strides = array<i32>} : memref<48x16xf32, #tpu.memory_space<vmem>>, vector<1x16xf32>,
    %swap3A_190 = vector.shape_cast %swap3A_189 : vector<1x16xf32> to vector<16xf32>
    %swap3A_191 = vector.shape_cast %broadcast_in_dim3A_185 : vector<16xf32> to vector<1x16xf32>
    tpu.vector_store %arg10[%swap3A_187, %swap3A_188], %swap3A_191 {strides = array<i32>} : memref<48x16xf32, #tpu.memory_space<vmem>>, vector<1x16xf32>,
    %slice3A_192 = vector.extract_strided_slice %get3A_173 {offsets = [2], sizes = [1], strides = [1]} : vector<16xf32> to vector<1xf32>
    %squeeze3A_193 = vector.extract %slice3A_192[0] : f32 from vector<1xf32>
    %broadcast_in_dim3A_194 = vector.broadcast %squeeze3A_193 : f32 to vector<16xf32>
    %swap3A_195 = arith.constant 18 : i32
    %swap3A_196 = arith.index_cast %swap3A_195 : i32 to index
    %swap3A_197 = arith.constant 0 : index
    %swap3A_198 = tpu.vector_load %arg10[%swap3A_196, %swap3A_197] {strides = array<i32>} : memref<48x16xf32, #tpu.memory_space<vmem>>, vector<1x16xf32>,
    %swap3A_199 = vector.shape_cast %swap3A_198 : vector<1x16xf32> to vector<16xf32>
    %swap3A_200 = vector.shape_cast %broadcast_in_dim3A_194 : vector<16xf32> to vector<1x16xf32>
    tpu.vector_store %arg10[%swap3A_196, %swap3A_197], %swap3A_200 {strides = array<i32>} : memref<48x16xf32, #tpu.memory_space<vmem>>, vector<1x16xf32>,
    %slice3A_201 = vector.extract_strided_slice %get3A_173 {offsets = [3], sizes = [1], strides = [1]} : vector<16xf32> to vector<1xf32>
    %squeeze3A_202 = vector.extract %slice3A_201[0] : f32 from vector<1xf32>
    %broadcast_in_dim3A_203 = vector.broadcast %squeeze3A_202 : f32 to vector<16xf32>
    %swap3A_204 = arith.constant 19 : i32
    %swap3A_205 = arith.index_cast %swap3A_204 : i32 to index
    %swap3A_206 = arith.constant 0 : index
    %swap3A_207 = tpu.vector_load %arg10[%swap3A_205, %swap3A_206] {strides = array<i32>} : memref<48x16xf32, #tpu.memory_space<vmem>>, vector<1x16xf32>,
    %swap3A_208 = vector.shape_cast %swap3A_207 : vector<1x16xf32> to vector<16xf32>
    %swap3A_209 = vector.shape_cast %broadcast_in_dim3A_203 : vector<16xf32> to vector<1x16xf32>
    tpu.vector_store %arg10[%swap3A_205, %swap3A_206], %swap3A_209 {strides = array<i32>} : memref<48x16xf32, #tpu.memory_space<vmem>>, vector<1x16xf32>,
    %slice3A_210 = vector.extract_strided_slice %get3A_173 {offsets = [4], sizes = [1], strides = [1]} : vector<16xf32> to vector<1xf32>
    %squeeze3A_211 = vector.extract %slice3A_210[0] : f32 from vector<1xf32>
    %broadcast_in_dim3A_212 = vector.broadcast %squeeze3A_211 : f32 to vector<16xf32>
    %swap3A_213 = arith.constant 20 : i32
    %swap3A_214 = arith.index_cast %swap3A_213 : i32 to index
    %swap3A_215 = arith.constant 0 : index
    %swap3A_216 = tpu.vector_load %arg10[%swap3A_214, %swap3A_215] {strides = array<i32>} : memref<48x16xf32, #tpu.memory_space<vmem>>, vector<1x16xf32>,
    %swap3A_217 = vector.shape_cast %swap3A_216 : vector<1x16xf32> to vector<16xf32>
    %swap3A_218 = vector.shape_cast %broadcast_in_dim3A_212 : vector<16xf32> to vector<1x16xf32>
    tpu.vector_store %arg10[%swap3A_214, %swap3A_215], %swap3A_218 {strides = array<i32>} : memref<48x16xf32, #tpu.memory_space<vmem>>, vector<1x16xf32>,
    %slice3A_219 = vector.extract_strided_slice %get3A_173 {offsets = [5], sizes = [1], strides = [1]} : vector<16xf32> to vector<1xf32>
    %squeeze3A_220 = vector.extract %slice3A_219[0] : f32 from vector<1xf32>
    %broadcast_in_dim3A_221 = vector.broadcast %squeeze3A_220 : f32 to vector<16xf32>
    %swap3A_222 = arith.constant 21 : i32
    %swap3A_223 = arith.index_cast %swap3A_222 : i32 to index
    %swap3A_224 = arith.constant 0 : index
    %swap3A_225 = tpu.vector_load %arg10[%swap3A_223, %swap3A_224] {strides = array<i32>} : memref<48x16xf32, #tpu.memory_space<vmem>>, vector<1x16xf32>,
    %swap3A_226 = vector.shape_cast %swap3A_225 : vector<1x16xf32> to vector<16xf32>
    %swap3A_227 = vector.shape_cast %broadcast_in_dim3A_221 : vector<16xf32> to vector<1x16xf32>
    tpu.vector_store %arg10[%swap3A_223, %swap3A_224], %swap3A_227 {strides = array<i32>} : memref<48x16xf32, #tpu.memory_space<vmem>>, vector<1x16xf32>,
    %slice3A_228 = vector.extract_strided_slice %get3A_173 {offsets = [6], sizes = [1], strides = [1]} : vector<16xf32> to vector<1xf32>
    %squeeze3A_229 = vector.extract %slice3A_228[0] : f32 from vector<1xf32>
    %broadcast_in_dim3A_230 = vector.broadcast %squeeze3A_229 : f32 to vector<16xf32>
    %swap3A_231 = arith.constant 22 : i32
    %swap3A_232 = arith.index_cast %swap3A_231 : i32 to index
    %swap3A_233 = arith.constant 0 : index
    %swap3A_234 = tpu.vector_load %arg10[%swap3A_232, %swap3A_233] {strides = array<i32>} : memref<48x16xf32, #tpu.memory_space<vmem>>, vector<1x16xf32>,
    %swap3A_235 = vector.shape_cast %swap3A_234 : vector<1x16xf32> to vector<16xf32>
    %swap3A_236 = vector.shape_cast %broadcast_in_dim3A_230 : vector<16xf32> to vector<1x16xf32>
    tpu.vector_store %arg10[%swap3A_232, %swap3A_233], %swap3A_236 {strides = array<i32>} : memref<48x16xf32, #tpu.memory_space<vmem>>, vector<1x16xf32>,
    %slice3A_237 = vector.extract_strided_slice %get3A_173 {offsets = [7], sizes = [1], strides = [1]} : vector<16xf32> to vector<1xf32>
    %squeeze3A_238 = vector.extract %slice3A_237[0] : f32 from vector<1xf32>
    %broadcast_in_dim3A_239 = vector.broadcast %squeeze3A_238 : f32 to vector<16xf32>
    %swap3A_240 = arith.constant 23 : i32
    %swap3A_241 = arith.index_cast %swap3A_240 : i32 to index
    %swap3A_242 = arith.constant 0 : index
    %swap3A_243 = tpu.vector_load %arg10[%swap3A_241, %swap3A_242] {strides = array<i32>} : memref<48x16xf32, #tpu.memory_space<vmem>>, vector<1x16xf32>,
    %swap3A_244 = vector.shape_cast %swap3A_243 : vector<1x16xf32> to vector<16xf32>
    %swap3A_245 = vector.shape_cast %broadcast_in_dim3A_239 : vector<16xf32> to vector<1x16xf32>
    tpu.vector_store %arg10[%swap3A_241, %swap3A_242], %swap3A_245 {strides = array<i32>} : memref<48x16xf32, #tpu.memory_space<vmem>>, vector<1x16xf32>,
    %slice3A_246 = vector.extract_strided_slice %get3A_173 {offsets = [8], sizes = [1], strides = [1]} : vector<16xf32> to vector<1xf32>
    %squeeze3A_247 = vector.extract %slice3A_246[0] : f32 from vector<1xf32>
    %broadcast_in_dim3A_248 = vector.broadcast %squeeze3A_247 : f32 to vector<16xf32>
    %swap3A_249 = arith.constant 24 : i32
    %swap3A_250 = arith.index_cast %swap3A_249 : i32 to index
    %swap3A_251 = arith.constant 0 : index
    %swap3A_252 = tpu.vector_load %arg10[%swap3A_250, %swap3A_251] {strides = array<i32>} : memref<48x16xf32, #tpu.memory_space<vmem>>, vector<1x16xf32>,
    %swap3A_253 = vector.shape_cast %swap3A_252 : vector<1x16xf32> to vector<16xf32>
    %swap3A_254 = vector.shape_cast %broadcast_in_dim3A_248 : vector<16xf32> to vector<1x16xf32>
    tpu.vector_store %arg10[%swap3A_250, %swap3A_251], %swap3A_254 {strides = array<i32>} : memref<48x16xf32, #tpu.memory_space<vmem>>, vector<1x16xf32>,
    %slice3A_255 = vector.extract_strided_slice %get3A_173 {offsets = [9], sizes = [1], strides = [1]} : vector<16xf32> to vector<1xf32>
    %squeeze3A_256 = vector.extract %slice3A_255[0] : f32 from vector<1xf32>
    %broadcast_in_dim3A_257 = vector.broadcast %squeeze3A_256 : f32 to vector<16xf32>
    %swap3A_258 = arith.constant 25 : i32
    %swap3A_259 = arith.index_cast %swap3A_258 : i32 to index
    %swap3A_260 = arith.constant 0 : index
    %swap3A_261 = tpu.vector_load %arg10[%swap3A_259, %swap3A_260] {strides = array<i32>} : memref<48x16xf32, #tpu.memory_space<vmem>>, vector<1x16xf32>,
    %swap3A_262 = vector.shape_cast %swap3A_261 : vector<1x16xf32> to vector<16xf32>
    %swap3A_263 = vector.shape_cast %broadcast_in_dim3A_257 : vector<16xf32> to vector<1x16xf32>
    tpu.vector_store %arg10[%swap3A_259, %swap3A_260], %swap3A_263 {strides = array<i32>} : memref<48x16xf32, #tpu.memory_space<vmem>>, vector<1x16xf32>,
    %slice3A_264 = vector.extract_strided_slice %get3A_173 {offsets = [10], sizes = [1], strides = [1]} : vector<16xf32> to vector<1xf32>
    %squeeze3A_265 = vector.extract %slice3A_264[0] : f32 from vector<1xf32>
    %broadcast_in_dim3A_266 = vector.broadcast %squeeze3A_265 : f32 to vector<16xf32>
    %swap3A_267 = arith.constant 26 : i32
    %swap3A_268 = arith.index_cast %swap3A_267 : i32 to index
    %swap3A_269 = arith.constant 0 : index
    %swap3A_270 = tpu.vector_load %arg10[%swap3A_268, %swap3A_269] {strides = array<i32>} : memref<48x16xf32, #tpu.memory_space<vmem>>, vector<1x16xf32>,
    %swap3A_271 = vector.shape_cast %swap3A_270 : vector<1x16xf32> to vector<16xf32>
    %swap3A_272 = vector.shape_cast %broadcast_in_dim3A_266 : vector<16xf32> to vector<1x16xf32>
    tpu.vector_store %arg10[%swap3A_268, %swap3A_269], %swap3A_272 {strides = array<i32>} : memref<48x16xf32, #tpu.memory_space<vmem>>, vector<1x16xf32>,
    %slice3A_273 = vector.extract_strided_slice %get3A_173 {offsets = [11], sizes = [1], strides = [1]} : vector<16xf32> to vector<1xf32>
    %squeeze3A_274 = vector.extract %slice3A_273[0] : f32 from vector<1xf32>
    %broadcast_in_dim3A_275 = vector.broadcast %squeeze3A_274 : f32 to vector<16xf32>
    %swap3A_276 = arith.constant 27 : i32
    %swap3A_277 = arith.index_cast %swap3A_276 : i32 to index
    %swap3A_278 = arith.constant 0 : index
    %swap3A_279 = tpu.vector_load %arg10[%swap3A_277, %swap3A_278] {strides = array<i32>} : memref<48x16xf32, #tpu.memory_space<vmem>>, vector<1x16xf32>,
    %swap3A_280 = vector.shape_cast %swap3A_279 : vector<1x16xf32> to vector<16xf32>
    %swap3A_281 = vector.shape_cast %broadcast_in_dim3A_275 : vector<16xf32> to vector<1x16xf32>
    tpu.vector_store %arg10[%swap3A_277, %swap3A_278], %swap3A_281 {strides = array<i32>} : memref<48x16xf32, #tpu.memory_space<vmem>>, vector<1x16xf32>,
    %slice3A_282 = vector.extract_strided_slice %get3A_173 {offsets = [12], sizes = [1], strides = [1]} : vector<16xf32> to vector<1xf32>
    %squeeze3A_283 = vector.extract %slice3A_282[0] : f32 from vector<1xf32>
    %broadcast_in_dim3A_284 = vector.broadcast %squeeze3A_283 : f32 to vector<16xf32>
    %swap3A_285 = arith.constant 28 : i32
    %swap3A_286 = arith.index_cast %swap3A_285 : i32 to index
    %swap3A_287 = arith.constant 0 : index
    %swap3A_288 = tpu.vector_load %arg10[%swap3A_286, %swap3A_287] {strides = array<i32>} : memref<48x16xf32, #tpu.memory_space<vmem>>, vector<1x16xf32>,
    %swap3A_289 = vector.shape_cast %swap3A_288 : vector<1x16xf32> to vector<16xf32>
    %swap3A_290 = vector.shape_cast %broadcast_in_dim3A_284 : vector<16xf32> to vector<1x16xf32>
    tpu.vector_store %arg10[%swap3A_286, %swap3A_287], %swap3A_290 {strides = array<i32>} : memref<48x16xf32, #tpu.memory_space<vmem>>, vector<1x16xf32>,
    %slice3A_291 = vector.extract_strided_slice %get3A_173 {offsets = [13], sizes = [1], strides = [1]} : vector<16xf32> to vector<1xf32>
    %squeeze3A_292 = vector.extract %slice3A_291[0] : f32 from vector<1xf32>
    %broadcast_in_dim3A_293 = vector.broadcast %squeeze3A_292 : f32 to vector<16xf32>
    %swap3A_294 = arith.constant 29 : i32
    %swap3A_295 = arith.index_cast %swap3A_294 : i32 to index
    %swap3A_296 = arith.constant 0 : index
    %swap3A_297 = tpu.vector_load %arg10[%swap3A_295, %swap3A_296] {strides = array<i32>} : memref<48x16xf32, #tpu.memory_space<vmem>>, vector<1x16xf32>,
    %swap3A_298 = vector.shape_cast %swap3A_297 : vector<1x16xf32> to vector<16xf32>
    %swap3A_299 = vector.shape_cast %broadcast_in_dim3A_293 : vector<16xf32> to vector<1x16xf32>
    tpu.vector_store %arg10[%swap3A_295, %swap3A_296], %swap3A_299 {strides = array<i32>} : memref<48x16xf32, #tpu.memory_space<vmem>>, vector<1x16xf32>,
    %slice3A_300 = vector.extract_strided_slice %get3A_173 {offsets = [14], sizes = [1], strides = [1]} : vector<16xf32> to vector<1xf32>
    %squeeze3A_301 = vector.extract %slice3A_300[0] : f32 from vector<1xf32>
    %broadcast_in_dim3A_302 = vector.broadcast %squeeze3A_301 : f32 to vector<16xf32>
    %swap3A_303 = arith.constant 30 : i32
    %swap3A_304 = arith.index_cast %swap3A_303 : i32 to index
    %swap3A_305 = arith.constant 0 : index
    %swap3A_306 = tpu.vector_load %arg10[%swap3A_304, %swap3A_305] {strides = array<i32>} : memref<48x16xf32, #tpu.memory_space<vmem>>, vector<1x16xf32>,
    %swap3A_307 = vector.shape_cast %swap3A_306 : vector<1x16xf32> to vector<16xf32>
    %swap3A_308 = vector.shape_cast %broadcast_in_dim3A_302 : vector<16xf32> to vector<1x16xf32>
    tpu.vector_store %arg10[%swap3A_304, %swap3A_305], %swap3A_308 {strides = array<i32>} : memref<48x16xf32, #tpu.memory_space<vmem>>, vector<1x16xf32>,
    %slice3A_309 = vector.extract_strided_slice %get3A_173 {offsets = [15], sizes = [1], strides = [1]} : vector<16xf32> to vector<1xf32>
    %squeeze3A_310 = vector.extract %slice3A_309[0] : f32 from vector<1xf32>
    %broadcast_in_dim3A_311 = vector.broadcast %squeeze3A_310 : f32 to vector<16xf32>
    %swap3A_312 = arith.constant 31 : i32
    %swap3A_313 = arith.index_cast %swap3A_312 : i32 to index
    %swap3A_314 = arith.constant 0 : index
    %swap3A_315 = tpu.vector_load %arg10[%swap3A_313, %swap3A_314] {strides = array<i32>} : memref<48x16xf32, #tpu.memory_space<vmem>>, vector<1x16xf32>,
    %swap3A_316 = vector.shape_cast %swap3A_315 : vector<1x16xf32> to vector<16xf32>
    %swap3A_317 = vector.shape_cast %broadcast_in_dim3A_311 : vector<16xf32> to vector<1x16xf32>
    tpu.vector_store %arg10[%swap3A_313, %swap3A_314], %swap3A_317 {strides = array<i32>} : memref<48x16xf32, #tpu.memory_space<vmem>>, vector<1x16xf32>,
    %add3A_318 = arith.constant 32 : i32
    %add3A_319 = arith.addi %mul3A_13, %add3A_318 : i32
    %get3A_320 = arith.index_cast %add3A_319 : i32 to index
    %get3A_321 = tpu.vector_load %arg9[%get3A_320] {strides = array<i32>} : memref<96xf32, #tpu.memory_space<vmem>>, vector<16xf32>,
    %get3A_322 = vector.shape_cast %get3A_321 : vector<16xf32> to vector<16xf32>
    %slice3A_323 = vector.extract_strided_slice %get3A_322 {offsets = [0], sizes = [1], strides = [1]} : vector<16xf32> to vector<1xf32>
    %squeeze3A_324 = vector.extract %slice3A_323[0] : f32 from vector<1xf32>
    %broadcast_in_dim3A_325 = vector.broadcast %squeeze3A_324 : f32 to vector<16xf32>
    %swap3A_326 = arith.constant 32 : i32
    %swap3A_327 = arith.index_cast %swap3A_326 : i32 to index
    %swap3A_328 = arith.constant 0 : index
    %swap3A_329 = tpu.vector_load %arg10[%swap3A_327, %swap3A_328] {strides = array<i32>} : memref<48x16xf32, #tpu.memory_space<vmem>>, vector<1x16xf32>,
    %swap3A_330 = vector.shape_cast %swap3A_329 : vector<1x16xf32> to vector<16xf32>
    %swap3A_331 = vector.shape_cast %broadcast_in_dim3A_325 : vector<16xf32> to vector<1x16xf32>
    tpu.vector_store %arg10[%swap3A_327, %swap3A_328], %swap3A_331 {strides = array<i32>} : memref<48x16xf32, #tpu.memory_space<vmem>>, vector<1x16xf32>,
    %slice3A_332 = vector.extract_strided_slice %get3A_322 {offsets = [1], sizes = [1], strides = [1]} : vector<16xf32> to vector<1xf32>
    %squeeze3A_333 = vector.extract %slice3A_332[0] : f32 from vector<1xf32>
    %broadcast_in_dim3A_334 = vector.broadcast %squeeze3A_333 : f32 to vector<16xf32>
    %swap3A_335 = arith.constant 33 : i32
    %swap3A_336 = arith.index_cast %swap3A_335 : i32 to index
    %swap3A_337 = arith.constant 0 : index
    %swap3A_338 = tpu.vector_load %arg10[%swap3A_336, %swap3A_337] {strides = array<i32>} : memref<48x16xf32, #tpu.memory_space<vmem>>, vector<1x16xf32>,
    %swap3A_339 = vector.shape_cast %swap3A_338 : vector<1x16xf32> to vector<16xf32>
    %swap3A_340 = vector.shape_cast %broadcast_in_dim3A_334 : vector<16xf32> to vector<1x16xf32>
    tpu.vector_store %arg10[%swap3A_336, %swap3A_337], %swap3A_340 {strides = array<i32>} : memref<48x16xf32, #tpu.memory_space<vmem>>, vector<1x16xf32>,
    %slice3A_341 = vector.extract_strided_slice %get3A_322 {offsets = [2], sizes = [1], strides = [1]} : vector<16xf32> to vector<1xf32>
    %squeeze3A_342 = vector.extract %slice3A_341[0] : f32 from vector<1xf32>
    %broadcast_in_dim3A_343 = vector.broadcast %squeeze3A_342 : f32 to vector<16xf32>
    %swap3A_344 = arith.constant 34 : i32
    %swap3A_345 = arith.index_cast %swap3A_344 : i32 to index
    %swap3A_346 = arith.constant 0 : index
    %swap3A_347 = tpu.vector_load %arg10[%swap3A_345, %swap3A_346] {strides = array<i32>} : memref<48x16xf32, #tpu.memory_space<vmem>>, vector<1x16xf32>,
    %swap3A_348 = vector.shape_cast %swap3A_347 : vector<1x16xf32> to vector<16xf32>
    %swap3A_349 = vector.shape_cast %broadcast_in_dim3A_343 : vector<16xf32> to vector<1x16xf32>
    tpu.vector_store %arg10[%swap3A_345, %swap3A_346], %swap3A_349 {strides = array<i32>} : memref<48x16xf32, #tpu.memory_space<vmem>>, vector<1x16xf32>,
    %slice3A_350 = vector.extract_strided_slice %get3A_322 {offsets = [3], sizes = [1], strides = [1]} : vector<16xf32> to vector<1xf32>
    %squeeze3A_351 = vector.extract %slice3A_350[0] : f32 from vector<1xf32>
    %broadcast_in_dim3A_352 = vector.broadcast %squeeze3A_351 : f32 to vector<16xf32>
    %swap3A_353 = arith.constant 35 : i32
    %swap3A_354 = arith.index_cast %swap3A_353 : i32 to index
    %swap3A_355 = arith.constant 0 : index
    %swap3A_356 = tpu.vector_load %arg10[%swap3A_354, %swap3A_355] {strides = array<i32>} : memref<48x16xf32, #tpu.memory_space<vmem>>, vector<1x16xf32>,
    %swap3A_357 = vector.shape_cast %swap3A_356 : vector<1x16xf32> to vector<16xf32>
    %swap3A_358 = vector.shape_cast %broadcast_in_dim3A_352 : vector<16xf32> to vector<1x16xf32>
    tpu.vector_store %arg10[%swap3A_354, %swap3A_355], %swap3A_358 {strides = array<i32>} : memref<48x16xf32, #tpu.memory_space<vmem>>, vector<1x16xf32>,
    %slice3A_359 = vector.extract_strided_slice %get3A_322 {offsets = [4], sizes = [1], strides = [1]} : vector<16xf32> to vector<1xf32>
    %squeeze3A_360 = vector.extract %slice3A_359[0] : f32 from vector<1xf32>
    %broadcast_in_dim3A_361 = vector.broadcast %squeeze3A_360 : f32 to vector<16xf32>
    %swap3A_362 = arith.constant 36 : i32
    %swap3A_363 = arith.index_cast %swap3A_362 : i32 to index
    %swap3A_364 = arith.constant 0 : index
    %swap3A_365 = tpu.vector_load %arg10[%swap3A_363, %swap3A_364] {strides = array<i32>} : memref<48x16xf32, #tpu.memory_space<vmem>>, vector<1x16xf32>,
    %swap3A_366 = vector.shape_cast %swap3A_365 : vector<1x16xf32> to vector<16xf32>
    %swap3A_367 = vector.shape_cast %broadcast_in_dim3A_361 : vector<16xf32> to vector<1x16xf32>
    tpu.vector_store %arg10[%swap3A_363, %swap3A_364], %swap3A_367 {strides = array<i32>} : memref<48x16xf32, #tpu.memory_space<vmem>>, vector<1x16xf32>,
    %slice3A_368 = vector.extract_strided_slice %get3A_322 {offsets = [5], sizes = [1], strides = [1]} : vector<16xf32> to vector<1xf32>
    %squeeze3A_369 = vector.extract %slice3A_368[0] : f32 from vector<1xf32>
    %broadcast_in_dim3A_370 = vector.broadcast %squeeze3A_369 : f32 to vector<16xf32>
    %swap3A_371 = arith.constant 37 : i32
    %swap3A_372 = arith.index_cast %swap3A_371 : i32 to index
    %swap3A_373 = arith.constant 0 : index
    %swap3A_374 = tpu.vector_load %arg10[%swap3A_372, %swap3A_373] {strides = array<i32>} : memref<48x16xf32, #tpu.memory_space<vmem>>, vector<1x16xf32>,
    %swap3A_375 = vector.shape_cast %swap3A_374 : vector<1x16xf32> to vector<16xf32>
    %swap3A_376 = vector.shape_cast %broadcast_in_dim3A_370 : vector<16xf32> to vector<1x16xf32>
    tpu.vector_store %arg10[%swap3A_372, %swap3A_373], %swap3A_376 {strides = array<i32>} : memref<48x16xf32, #tpu.memory_space<vmem>>, vector<1x16xf32>,
    %slice3A_377 = vector.extract_strided_slice %get3A_322 {offsets = [6], sizes = [1], strides = [1]} : vector<16xf32> to vector<1xf32>
    %squeeze3A_378 = vector.extract %slice3A_377[0] : f32 from vector<1xf32>
    %broadcast_in_dim3A_379 = vector.broadcast %squeeze3A_378 : f32 to vector<16xf32>
    %swap3A_380 = arith.constant 38 : i32
    %swap3A_381 = arith.index_cast %swap3A_380 : i32 to index
    %swap3A_382 = arith.constant 0 : index
    %swap3A_383 = tpu.vector_load %arg10[%swap3A_381, %swap3A_382] {strides = array<i32>} : memref<48x16xf32, #tpu.memory_space<vmem>>, vector<1x16xf32>,
    %swap3A_384 = vector.shape_cast %swap3A_383 : vector<1x16xf32> to vector<16xf32>
    %swap3A_385 = vector.shape_cast %broadcast_in_dim3A_379 : vector<16xf32> to vector<1x16xf32>
    tpu.vector_store %arg10[%swap3A_381, %swap3A_382], %swap3A_385 {strides = array<i32>} : memref<48x16xf32, #tpu.memory_space<vmem>>, vector<1x16xf32>,
    %slice3A_386 = vector.extract_strided_slice %get3A_322 {offsets = [7], sizes = [1], strides = [1]} : vector<16xf32> to vector<1xf32>
    %squeeze3A_387 = vector.extract %slice3A_386[0] : f32 from vector<1xf32>
    %broadcast_in_dim3A_388 = vector.broadcast %squeeze3A_387 : f32 to vector<16xf32>
    %swap3A_389 = arith.constant 39 : i32
    %swap3A_390 = arith.index_cast %swap3A_389 : i32 to index
    %swap3A_391 = arith.constant 0 : index
    %swap3A_392 = tpu.vector_load %arg10[%swap3A_390, %swap3A_391] {strides = array<i32>} : memref<48x16xf32, #tpu.memory_space<vmem>>, vector<1x16xf32>,
    %swap3A_393 = vector.shape_cast %swap3A_392 : vector<1x16xf32> to vector<16xf32>
    %swap3A_394 = vector.shape_cast %broadcast_in_dim3A_388 : vector<16xf32> to vector<1x16xf32>
    tpu.vector_store %arg10[%swap3A_390, %swap3A_391], %swap3A_394 {strides = array<i32>} : memref<48x16xf32, #tpu.memory_space<vmem>>, vector<1x16xf32>,
    %slice3A_395 = vector.extract_strided_slice %get3A_322 {offsets = [8], sizes = [1], strides = [1]} : vector<16xf32> to vector<1xf32>
    %squeeze3A_396 = vector.extract %slice3A_395[0] : f32 from vector<1xf32>
    %broadcast_in_dim3A_397 = vector.broadcast %squeeze3A_396 : f32 to vector<16xf32>
    %swap3A_398 = arith.constant 40 : i32
    %swap3A_399 = arith.index_cast %swap3A_398 : i32 to index
    %swap3A_400 = arith.constant 0 : index
    %swap3A_401 = tpu.vector_load %arg10[%swap3A_399, %swap3A_400] {strides = array<i32>} : memref<48x16xf32, #tpu.memory_space<vmem>>, vector<1x16xf32>,
    %swap3A_402 = vector.shape_cast %swap3A_401 : vector<1x16xf32> to vector<16xf32>
    %swap3A_403 = vector.shape_cast %broadcast_in_dim3A_397 : vector<16xf32> to vector<1x16xf32>
    tpu.vector_store %arg10[%swap3A_399, %swap3A_400], %swap3A_403 {strides = array<i32>} : memref<48x16xf32, #tpu.memory_space<vmem>>, vector<1x16xf32>,
    %slice3A_404 = vector.extract_strided_slice %get3A_322 {offsets = [9], sizes = [1], strides = [1]} : vector<16xf32> to vector<1xf32>
    %squeeze3A_405 = vector.extract %slice3A_404[0] : f32 from vector<1xf32>
    %broadcast_in_dim3A_406 = vector.broadcast %squeeze3A_405 : f32 to vector<16xf32>
    %swap3A_407 = arith.constant 41 : i32
    %swap3A_408 = arith.index_cast %swap3A_407 : i32 to index
    %swap3A_409 = arith.constant 0 : index
    %swap3A_410 = tpu.vector_load %arg10[%swap3A_408, %swap3A_409] {strides = array<i32>} : memref<48x16xf32, #tpu.memory_space<vmem>>, vector<1x16xf32>,
    %swap3A_411 = vector.shape_cast %swap3A_410 : vector<1x16xf32> to vector<16xf32>
    %swap3A_412 = vector.shape_cast %broadcast_in_dim3A_406 : vector<16xf32> to vector<1x16xf32>
    tpu.vector_store %arg10[%swap3A_408, %swap3A_409], %swap3A_412 {strides = array<i32>} : memref<48x16xf32, #tpu.memory_space<vmem>>, vector<1x16xf32>,
    %slice3A_413 = vector.extract_strided_slice %get3A_322 {offsets = [10], sizes = [1], strides = [1]} : vector<16xf32> to vector<1xf32>
    %squeeze3A_414 = vector.extract %slice3A_413[0] : f32 from vector<1xf32>
    %broadcast_in_dim3A_415 = vector.broadcast %squeeze3A_414 : f32 to vector<16xf32>
    %swap3A_416 = arith.constant 42 : i32
    %swap3A_417 = arith.index_cast %swap3A_416 : i32 to index
    %swap3A_418 = arith.constant 0 : index
    %swap3A_419 = tpu.vector_load %arg10[%swap3A_417, %swap3A_418] {strides = array<i32>} : memref<48x16xf32, #tpu.memory_space<vmem>>, vector<1x16xf32>,
    %swap3A_420 = vector.shape_cast %swap3A_419 : vector<1x16xf32> to vector<16xf32>
    %swap3A_421 = vector.shape_cast %broadcast_in_dim3A_415 : vector<16xf32> to vector<1x16xf32>
    tpu.vector_store %arg10[%swap3A_417, %swap3A_418], %swap3A_421 {strides = array<i32>} : memref<48x16xf32, #tpu.memory_space<vmem>>, vector<1x16xf32>,
    %slice3A_422 = vector.extract_strided_slice %get3A_322 {offsets = [11], sizes = [1], strides = [1]} : vector<16xf32> to vector<1xf32>
    %squeeze3A_423 = vector.extract %slice3A_422[0] : f32 from vector<1xf32>
    %broadcast_in_dim3A_424 = vector.broadcast %squeeze3A_423 : f32 to vector<16xf32>
    %swap3A_425 = arith.constant 43 : i32
    %swap3A_426 = arith.index_cast %swap3A_425 : i32 to index
    %swap3A_427 = arith.constant 0 : index
    %swap3A_428 = tpu.vector_load %arg10[%swap3A_426, %swap3A_427] {strides = array<i32>} : memref<48x16xf32, #tpu.memory_space<vmem>>, vector<1x16xf32>,
    %swap3A_429 = vector.shape_cast %swap3A_428 : vector<1x16xf32> to vector<16xf32>
    %swap3A_430 = vector.shape_cast %broadcast_in_dim3A_424 : vector<16xf32> to vector<1x16xf32>
    tpu.vector_store %arg10[%swap3A_426, %swap3A_427], %swap3A_430 {strides = array<i32>} : memref<48x16xf32, #tpu.memory_space<vmem>>, vector<1x16xf32>,
    %slice3A_431 = vector.extract_strided_slice %get3A_322 {offsets = [12], sizes = [1], strides = [1]} : vector<16xf32> to vector<1xf32>
    %squeeze3A_432 = vector.extract %slice3A_431[0] : f32 from vector<1xf32>
    %broadcast_in_dim3A_433 = vector.broadcast %squeeze3A_432 : f32 to vector<16xf32>
    %swap3A_434 = arith.constant 44 : i32
    %swap3A_435 = arith.index_cast %swap3A_434 : i32 to index
    %swap3A_436 = arith.constant 0 : index
    %swap3A_437 = tpu.vector_load %arg10[%swap3A_435, %swap3A_436] {strides = array<i32>} : memref<48x16xf32, #tpu.memory_space<vmem>>, vector<1x16xf32>,
    %swap3A_438 = vector.shape_cast %swap3A_437 : vector<1x16xf32> to vector<16xf32>
    %swap3A_439 = vector.shape_cast %broadcast_in_dim3A_433 : vector<16xf32> to vector<1x16xf32>
    tpu.vector_store %arg10[%swap3A_435, %swap3A_436], %swap3A_439 {strides = array<i32>} : memref<48x16xf32, #tpu.memory_space<vmem>>, vector<1x16xf32>,
    %slice3A_440 = vector.extract_strided_slice %get3A_322 {offsets = [13], sizes = [1], strides = [1]} : vector<16xf32> to vector<1xf32>
    %squeeze3A_441 = vector.extract %slice3A_440[0] : f32 from vector<1xf32>
    %broadcast_in_dim3A_442 = vector.broadcast %squeeze3A_441 : f32 to vector<16xf32>
    %swap3A_443 = arith.constant 45 : i32
    %swap3A_444 = arith.index_cast %swap3A_443 : i32 to index
    %swap3A_445 = arith.constant 0 : index
    %swap3A_446 = tpu.vector_load %arg10[%swap3A_444, %swap3A_445] {strides = array<i32>} : memref<48x16xf32, #tpu.memory_space<vmem>>, vector<1x16xf32>,
    %swap3A_447 = vector.shape_cast %swap3A_446 : vector<1x16xf32> to vector<16xf32>
    %swap3A_448 = vector.shape_cast %broadcast_in_dim3A_442 : vector<16xf32> to vector<1x16xf32>
    tpu.vector_store %arg10[%swap3A_444, %swap3A_445], %swap3A_448 {strides = array<i32>} : memref<48x16xf32, #tpu.memory_space<vmem>>, vector<1x16xf32>,
    %slice3A_449 = vector.extract_strided_slice %get3A_322 {offsets = [14], sizes = [1], strides = [1]} : vector<16xf32> to vector<1xf32>
    %squeeze3A_450 = vector.extract %slice3A_449[0] : f32 from vector<1xf32>
    %broadcast_in_dim3A_451 = vector.broadcast %squeeze3A_450 : f32 to vector<16xf32>
    %swap3A_452 = arith.constant 46 : i32
    %swap3A_453 = arith.index_cast %swap3A_452 : i32 to index
    %swap3A_454 = arith.constant 0 : index
    %swap3A_455 = tpu.vector_load %arg10[%swap3A_453, %swap3A_454] {strides = array<i32>} : memref<48x16xf32, #tpu.memory_space<vmem>>, vector<1x16xf32>,
    %swap3A_456 = vector.shape_cast %swap3A_455 : vector<1x16xf32> to vector<16xf32>
    %swap3A_457 = vector.shape_cast %broadcast_in_dim3A_451 : vector<16xf32> to vector<1x16xf32>
    tpu.vector_store %arg10[%swap3A_453, %swap3A_454], %swap3A_457 {strides = array<i32>} : memref<48x16xf32, #tpu.memory_space<vmem>>, vector<1x16xf32>,
    %slice3A_458 = vector.extract_strided_slice %get3A_322 {offsets = [15], sizes = [1], strides = [1]} : vector<16xf32> to vector<1xf32>
    %squeeze3A_459 = vector.extract %slice3A_458[0] : f32 from vector<1xf32>
    %broadcast_in_dim3A_460 = vector.broadcast %squeeze3A_459 : f32 to vector<16xf32>
    %swap3A_461 = arith.constant 47 : i32
    %swap3A_462 = arith.index_cast %swap3A_461 : i32 to index
    %swap3A_463 = arith.constant 0 : index
    %swap3A_464 = tpu.vector_load %arg10[%swap3A_462, %swap3A_463] {strides = array<i32>} : memref<48x16xf32, #tpu.memory_space<vmem>>, vector<1x16xf32>,
    %swap3A_465 = vector.shape_cast %swap3A_464 : vector<1x16xf32> to vector<16xf32>
    %swap3A_466 = vector.shape_cast %broadcast_in_dim3A_460 : vector<16xf32> to vector<1x16xf32>
    tpu.vector_store %arg10[%swap3A_462, %swap3A_463], %swap3A_466 {strides = array<i32>} : memref<48x16xf32, #tpu.memory_space<vmem>>, vector<1x16xf32>,
    %add3A_467 = arith.constant 16 : i32
    %add3A_468 = arith.addi %mul3A_2, %add3A_467 : i32
    %dma_start3A_469 = arith.constant 0 : i32
    %dma_start3A_470 = tpu.memref_slice %arg2[%add3A_468, %dma_start3A_469] : memref<1536x1024xf32, #tpu.memory_space<hbm>> -> memref<8x1024xf32, #tpu.memory_space<hbm>>
    %dma_start3A_471 = arith.constant 0 : i32
    %dma_start3A_472 = tpu.memref_slice %arg2[%add3A_468, %dma_start3A_471] : memref<1536x1024xf32, #tpu.memory_space<hbm>> -> memref<8x1024xf32, #tpu.memory_space<hbm>>
    tpu.enqueue_dma source(%dma_start3A_472 : memref<8x1024xf32, #tpu.memory_space<hbm>>) target(%arg7 : memref<8x1024xf32, #tpu.memory_space<vmem>>) target_semaphore(%arg13 : memref<!tpu.dma_semaphore, #tpu.memory_space<semaphore_mem>>)
    %dma_wait3A = arith.constant 0 : i32
    %dma_wait3A_473 = tpu.memref_slice %arg2[%add3A_15, %dma_wait3A] : memref<1536x1024xf32, #tpu.memory_space<hbm>> -> memref<8x1024xf32, #tpu.memory_space<hbm>>
    %dma_wait3A_474 = arith.constant 0 : i32
    %dma_wait3A_475 = tpu.memref_slice %arg2[%add3A_15, %dma_wait3A_474] : memref<1536x1024xf32, #tpu.memory_space<hbm>> -> memref<8x1024xf32, #tpu.memory_space<hbm>>
    tpu.wait_dma2 semaphore(%arg11 : memref<!tpu.dma_semaphore, #tpu.memory_space<semaphore_mem>>) src(%dma_wait3A_475 : memref<8x1024xf32, #tpu.memory_space<hbm>>) dst(%arg5 : memref<8x1024xf32, #tpu.memory_space<vmem>>)
    %get3A_476 = arith.constant 0 : i32
    %get3A_477 = arith.index_cast %get3A_476 : i32 to index
    %get3A_478 = arith.constant 0 : index
    %get3A_479 = tpu.vector_load %arg10[%get3A_477, %get3A_478] {strides = array<i32>} : memref<48x16xf32, #tpu.memory_space<vmem>>, vector<1x16xf32>,
    %get3A_480 = vector.shape_cast %get3A_479 : vector<1x16xf32> to vector<16xf32>
    %get3A_481 = arith.constant 1 : i32
    %get3A_482 = arith.index_cast %get3A_481 : i32 to index
    %get3A_483 = arith.constant 0 : index
    %get3A_484 = tpu.vector_load %arg10[%get3A_482, %get3A_483] {strides = array<i32>} : memref<48x16xf32, #tpu.memory_space<vmem>>, vector<1x16xf32>,
    %get3A_485 = vector.shape_cast %get3A_484 : vector<1x16xf32> to vector<16xf32>
    %get3A_486 = arith.constant 2 : i32
    %get3A_487 = arith.index_cast %get3A_486 : i32 to index
    %get3A_488 = arith.constant 0 : index
    %get3A_489 = tpu.vector_load %arg10[%get3A_487, %get3A_488] {strides = array<i32>} : memref<48x16xf32, #tpu.memory_space<vmem>>, vector<1x16xf32>,
    %get3A_490 = vector.shape_cast %get3A_489 : vector<1x16xf32> to vector<16xf32>
    %get3A_491 = arith.constant 3 : i32
    %get3A_492 = arith.index_cast %get3A_491 : i32 to index
    %get3A_493 = arith.constant 0 : index
    %get3A_494 = tpu.vector_load %arg10[%get3A_492, %get3A_493] {strides = array<i32>} : memref<48x16xf32, #tpu.memory_space<vmem>>, vector<1x16xf32>,
    %get3A_495 = vector.shape_cast %get3A_494 : vector<1x16xf32> to vector<16xf32>
    %get3A_496 = arith.constant 4 : i32
    %get3A_497 = arith.index_cast %get3A_496 : i32 to index
    %get3A_498 = arith.constant 0 : index
    %get3A_499 = tpu.vector_load %arg10[%get3A_497, %get3A_498] {strides = array<i32>} : memref<48x16xf32, #tpu.memory_space<vmem>>, vector<1x16xf32>,
    %get3A_500 = vector.shape_cast %get3A_499 : vector<1x16xf32> to vector<16xf32>
    %get3A_501 = arith.constant 5 : i32
    %get3A_502 = arith.index_cast %get3A_501 : i32 to index
    %get3A_503 = arith.constant 0 : index
    %get3A_504 = tpu.vector_load %arg10[%get3A_502, %get3A_503] {strides = array<i32>} : memref<48x16xf32, #tpu.memory_space<vmem>>, vector<1x16xf32>,
    %get3A_505 = vector.shape_cast %get3A_504 : vector<1x16xf32> to vector<16xf32>
    %get3A_506 = arith.constant 6 : i32
    %get3A_507 = arith.index_cast %get3A_506 : i32 to index
    %get3A_508 = arith.constant 0 : index
    %get3A_509 = tpu.vector_load %arg10[%get3A_507, %get3A_508] {strides = array<i32>} : memref<48x16xf32, #tpu.memory_space<vmem>>, vector<1x16xf32>,
    %get3A_510 = vector.shape_cast %get3A_509 : vector<1x16xf32> to vector<16xf32>
    %get3A_511 = arith.constant 7 : i32
    %get3A_512 = arith.index_cast %get3A_511 : i32 to index
    %get3A_513 = arith.constant 0 : index
    %get3A_514 = tpu.vector_load %arg10[%get3A_512, %get3A_513] {strides = array<i32>} : memref<48x16xf32, #tpu.memory_space<vmem>>, vector<1x16xf32>,
    %get3A_515 = vector.shape_cast %get3A_514 : vector<1x16xf32> to vector<16xf32>
    %scan3A = arith.constant 0 : i32
    %scan3A_516 = arith.constant 0 : i32
    %scan3A_517 = arith.constant 64 : i32
    %scan3A_518 = arith.addi %scan3A_516, %scan3A_517 : i32
    %scan3A_519 = arith.constant 1 : i32
    scf.for %scan3A_849 = %scan3A_516 to %scan3A_518 step %scan3A_519  : i32 {
      %mul3A_850 = arith.constant 16 : i32
      %mul3A_851 = arith.muli %scan3A_849, %mul3A_850 : i32
      %get3A_852 = arith.constant 0 : i32
      %get3A_853 = arith.index_cast %get3A_852 : i32 to index
      %get3A_854 = arith.index_cast %mul3A_851 : i32 to index
      %get3A_855 = tpu.vector_load %arg5[%get3A_853, %get3A_854] {strides = array<i32>} : memref<8x1024xf32, #tpu.memory_space<vmem>>, vector<1x16xf32>,
      %get3A_856 = vector.shape_cast %get3A_855 : vector<1x16xf32> to vector<16xf32>
      %add3A_857 = arith.addf %get3A_856, %get3A_480 : vector<16xf32>
      %swap3A_858 = arith.constant 0 : i32
      %swap3A_859 = arith.index_cast %swap3A_858 : i32 to index
      %swap3A_860 = arith.index_cast %mul3A_851 : i32 to index
      %swap3A_861 = tpu.vector_load %arg5[%swap3A_859, %swap3A_860] {strides = array<i32>} : memref<8x1024xf32, #tpu.memory_space<vmem>>, vector<1x16xf32>,
      %swap3A_862 = vector.shape_cast %swap3A_861 : vector<1x16xf32> to vector<16xf32>
      %swap3A_863 = vector.shape_cast %add3A_857 : vector<16xf32> to vector<1x16xf32>
      tpu.vector_store %arg5[%swap3A_859, %swap3A_860], %swap3A_863 {strides = array<i32>} : memref<8x1024xf32, #tpu.memory_space<vmem>>, vector<1x16xf32>,
      %get3A_864 = arith.constant 1 : i32
      %get3A_865 = arith.index_cast %get3A_864 : i32 to index
      %get3A_866 = arith.index_cast %mul3A_851 : i32 to index
      %get3A_867 = tpu.vector_load %arg5[%get3A_865, %get3A_866] {strides = array<i32>} : memref<8x1024xf32, #tpu.memory_space<vmem>>, vector<1x16xf32>,
      %get3A_868 = vector.shape_cast %get3A_867 : vector<1x16xf32> to vector<16xf32>
      %add3A_869 = arith.addf %get3A_868, %get3A_485 : vector<16xf32>
      %swap3A_870 = arith.constant 1 : i32
      %swap3A_871 = arith.index_cast %swap3A_870 : i32 to index
      %swap3A_872 = arith.index_cast %mul3A_851 : i32 to index
      %swap3A_873 = tpu.vector_load %arg5[%swap3A_871, %swap3A_872] {strides = array<i32>} : memref<8x1024xf32, #tpu.memory_space<vmem>>, vector<1x16xf32>,
      %swap3A_874 = vector.shape_cast %swap3A_873 : vector<1x16xf32> to vector<16xf32>
      %swap3A_875 = vector.shape_cast %add3A_869 : vector<16xf32> to vector<1x16xf32>
      tpu.vector_store %arg5[%swap3A_871, %swap3A_872], %swap3A_875 {strides = array<i32>} : memref<8x1024xf32, #tpu.memory_space<vmem>>, vector<1x16xf32>,
      %get3A_876 = arith.constant 2 : i32
      %get3A_877 = arith.index_cast %get3A_876 : i32 to index
      %get3A_878 = arith.index_cast %mul3A_851 : i32 to index
      %get3A_879 = tpu.vector_load %arg5[%get3A_877, %get3A_878] {strides = array<i32>} : memref<8x1024xf32, #tpu.memory_space<vmem>>, vector<1x16xf32>,
      %get3A_880 = vector.shape_cast %get3A_879 : vector<1x16xf32> to vector<16xf32>
      %add3A_881 = arith.addf %get3A_880, %get3A_490 : vector<16xf32>
      %swap3A_882 = arith.constant 2 : i32
      %swap3A_883 = arith.index_cast %swap3A_882 : i32 to index
      %swap3A_884 = arith.index_cast %mul3A_851 : i32 to index
      %swap3A_885 = tpu.vector_load %arg5[%swap3A_883, %swap3A_884] {strides = array<i32>} : memref<8x1024xf32, #tpu.memory_space<vmem>>, vector<1x16xf32>,
      %swap3A_886 = vector.shape_cast %swap3A_885 : vector<1x16xf32> to vector<16xf32>
      %swap3A_887 = vector.shape_cast %add3A_881 : vector<16xf32> to vector<1x16xf32>
      tpu.vector_store %arg5[%swap3A_883, %swap3A_884], %swap3A_887 {strides = array<i32>} : memref<8x1024xf32, #tpu.memory_space<vmem>>, vector<1x16xf32>,
      %get3A_888 = arith.constant 3 : i32
      %get3A_889 = arith.index_cast %get3A_888 : i32 to index
      %get3A_890 = arith.index_cast %mul3A_851 : i32 to index
      %get3A_891 = tpu.vector_load %arg5[%get3A_889, %get3A_890] {strides = array<i32>} : memref<8x1024xf32, #tpu.memory_space<vmem>>, vector<1x16xf32>,
      %get3A_892 = vector.shape_cast %get3A_891 : vector<1x16xf32> to vector<16xf32>
      %add3A_893 = arith.addf %get3A_892, %get3A_495 : vector<16xf32>
      %swap3A_894 = arith.constant 3 : i32
      %swap3A_895 = arith.index_cast %swap3A_894 : i32 to index
      %swap3A_896 = arith.index_cast %mul3A_851 : i32 to index
      %swap3A_897 = tpu.vector_load %arg5[%swap3A_895, %swap3A_896] {strides = array<i32>} : memref<8x1024xf32, #tpu.memory_space<vmem>>, vector<1x16xf32>,
      %swap3A_898 = vector.shape_cast %swap3A_897 : vector<1x16xf32> to vector<16xf32>
      %swap3A_899 = vector.shape_cast %add3A_893 : vector<16xf32> to vector<1x16xf32>
      tpu.vector_store %arg5[%swap3A_895, %swap3A_896], %swap3A_899 {strides = array<i32>} : memref<8x1024xf32, #tpu.memory_space<vmem>>, vector<1x16xf32>,
      %get3A_900 = arith.constant 4 : i32
      %get3A_901 = arith.index_cast %get3A_900 : i32 to index
      %get3A_902 = arith.index_cast %mul3A_851 : i32 to index
      %get3A_903 = tpu.vector_load %arg5[%get3A_901, %get3A_902] {strides = array<i32>} : memref<8x1024xf32, #tpu.memory_space<vmem>>, vector<1x16xf32>,
      %get3A_904 = vector.shape_cast %get3A_903 : vector<1x16xf32> to vector<16xf32>
      %add3A_905 = arith.addf %get3A_904, %get3A_500 : vector<16xf32>
      %swap3A_906 = arith.constant 4 : i32
      %swap3A_907 = arith.index_cast %swap3A_906 : i32 to index
      %swap3A_908 = arith.index_cast %mul3A_851 : i32 to index
      %swap3A_909 = tpu.vector_load %arg5[%swap3A_907, %swap3A_908] {strides = array<i32>} : memref<8x1024xf32, #tpu.memory_space<vmem>>, vector<1x16xf32>,
      %swap3A_910 = vector.shape_cast %swap3A_909 : vector<1x16xf32> to vector<16xf32>
      %swap3A_911 = vector.shape_cast %add3A_905 : vector<16xf32> to vector<1x16xf32>
      tpu.vector_store %arg5[%swap3A_907, %swap3A_908], %swap3A_911 {strides = array<i32>} : memref<8x1024xf32, #tpu.memory_space<vmem>>, vector<1x16xf32>,
      %get3A_912 = arith.constant 5 : i32
      %get3A_913 = arith.index_cast %get3A_912 : i32 to index
      %get3A_914 = arith.index_cast %mul3A_851 : i32 to index
      %get3A_915 = tpu.vector_load %arg5[%get3A_913, %get3A_914] {strides = array<i32>} : memref<8x1024xf32, #tpu.memory_space<vmem>>, vector<1x16xf32>,
      %get3A_916 = vector.shape_cast %get3A_915 : vector<1x16xf32> to vector<16xf32>
      %add3A_917 = arith.addf %get3A_916, %get3A_505 : vector<16xf32>
      %swap3A_918 = arith.constant 5 : i32
      %swap3A_919 = arith.index_cast %swap3A_918 : i32 to index
      %swap3A_920 = arith.index_cast %mul3A_851 : i32 to index
      %swap3A_921 = tpu.vector_load %arg5[%swap3A_919, %swap3A_920] {strides = array<i32>} : memref<8x1024xf32, #tpu.memory_space<vmem>>, vector<1x16xf32>,
      %swap3A_922 = vector.shape_cast %swap3A_921 : vector<1x16xf32> to vector<16xf32>
      %swap3A_923 = vector.shape_cast %add3A_917 : vector<16xf32> to vector<1x16xf32>
      tpu.vector_store %arg5[%swap3A_919, %swap3A_920], %swap3A_923 {strides = array<i32>} : memref<8x1024xf32, #tpu.memory_space<vmem>>, vector<1x16xf32>,
      %get3A_924 = arith.constant 6 : i32
      %get3A_925 = arith.index_cast %get3A_924 : i32 to index
      %get3A_926 = arith.index_cast %mul3A_851 : i32 to index
      %get3A_927 = tpu.vector_load %arg5[%get3A_925, %get3A_926] {strides = array<i32>} : memref<8x1024xf32, #tpu.memory_space<vmem>>, vector<1x16xf32>,
      %get3A_928 = vector.shape_cast %get3A_927 : vector<1x16xf32> to vector<16xf32>
      %add3A_929 = arith.addf %get3A_928, %get3A_510 : vector<16xf32>
      %swap3A_930 = arith.constant 6 : i32
      %swap3A_931 = arith.index_cast %swap3A_930 : i32 to index
      %swap3A_932 = arith.index_cast %mul3A_851 : i32 to index
      %swap3A_933 = tpu.vector_load %arg5[%swap3A_931, %swap3A_932] {strides = array<i32>} : memref<8x1024xf32, #tpu.memory_space<vmem>>, vector<1x16xf32>,
      %swap3A_934 = vector.shape_cast %swap3A_933 : vector<1x16xf32> to vector<16xf32>
      %swap3A_935 = vector.shape_cast %add3A_929 : vector<16xf32> to vector<1x16xf32>
      tpu.vector_store %arg5[%swap3A_931, %swap3A_932], %swap3A_935 {strides = array<i32>} : memref<8x1024xf32, #tpu.memory_space<vmem>>, vector<1x16xf32>,
      %get3A_936 = arith.constant 7 : i32
      %get3A_937 = arith.index_cast %get3A_936 : i32 to index
      %get3A_938 = arith.index_cast %mul3A_851 : i32 to index
      %get3A_939 = tpu.vector_load %arg5[%get3A_937, %get3A_938] {strides = array<i32>} : memref<8x1024xf32, #tpu.memory_space<vmem>>, vector<1x16xf32>,
      %get3A_940 = vector.shape_cast %get3A_939 : vector<1x16xf32> to vector<16xf32>
      %add3A_941 = arith.addf %get3A_940, %get3A_515 : vector<16xf32>
      %swap3A_942 = arith.constant 7 : i32
      %swap3A_943 = arith.index_cast %swap3A_942 : i32 to index
      %swap3A_944 = arith.index_cast %mul3A_851 : i32 to index
      %swap3A_945 = tpu.vector_load %arg5[%swap3A_943, %swap3A_944] {strides = array<i32>} : memref<8x1024xf32, #tpu.memory_space<vmem>>, vector<1x16xf32>,
      %swap3A_946 = vector.shape_cast %swap3A_945 : vector<1x16xf32> to vector<16xf32>
      %swap3A_947 = vector.shape_cast %add3A_941 : vector<16xf32> to vector<1x16xf32>
      tpu.vector_store %arg5[%swap3A_943, %swap3A_944], %swap3A_947 {strides = array<i32>} : memref<8x1024xf32, #tpu.memory_space<vmem>>, vector<1x16xf32>,
    }
    %scan3A_520 = arith.constant 64 : i32
    %add3A_521 = arith.constant 0 : i32
    %add3A_522 = arith.addi %mul3A_2, %add3A_521 : i32
    %dma_start3A_523 = arith.constant 0 : i32
    %dma_start3A_524 = tpu.memref_slice %arg4[%add3A_522, %dma_start3A_523] : memref<1536x1024xf32, #tpu.memory_space<hbm>> -> memref<8x1024xf32, #tpu.memory_space<hbm>>
    %dma_start3A_525 = arith.constant 0 : i32
    %dma_start3A_526 = tpu.memref_slice %arg4[%add3A_522, %dma_start3A_525] : memref<1536x1024xf32, #tpu.memory_space<hbm>> -> memref<8x1024xf32, #tpu.memory_space<hbm>>
    tpu.enqueue_dma source(%arg5 : memref<8x1024xf32, #tpu.memory_space<vmem>>) target(%dma_start3A_526 : memref<8x1024xf32, #tpu.memory_space<hbm>>) target_semaphore(%arg15 : memref<!tpu.dma_semaphore, #tpu.memory_space<semaphore_mem>>)
    %add3A_527 = arith.constant 24 : i32
    %add3A_528 = arith.addi %mul3A_2, %add3A_527 : i32
    %dma_start3A_529 = arith.constant 0 : i32
    %dma_start3A_530 = tpu.memref_slice %arg2[%add3A_528, %dma_start3A_529] : memref<1536x1024xf32, #tpu.memory_space<hbm>> -> memref<8x1024xf32, #tpu.memory_space<hbm>>
    %dma_start3A_531 = arith.constant 0 : i32
    %dma_start3A_532 = tpu.memref_slice %arg2[%add3A_528, %dma_start3A_531] : memref<1536x1024xf32, #tpu.memory_space<hbm>> -> memref<8x1024xf32, #tpu.memory_space<hbm>>
    tpu.enqueue_dma source(%dma_start3A_532 : memref<8x1024xf32, #tpu.memory_space<hbm>>) target(%arg8 : memref<8x1024xf32, #tpu.memory_space<vmem>>) target_semaphore(%arg14 : memref<!tpu.dma_semaphore, #tpu.memory_space<semaphore_mem>>)
    %dma_wait3A_533 = arith.constant 0 : i32
    %dma_wait3A_534 = tpu.memref_slice %arg2[%add3A_20, %dma_wait3A_533] : memref<1536x1024xf32, #tpu.memory_space<hbm>> -> memref<8x1024xf32, #tpu.memory_space<hbm>>
    %dma_wait3A_535 = arith.constant 0 : i32
    %dma_wait3A_536 = tpu.memref_slice %arg2[%add3A_20, %dma_wait3A_535] : memref<1536x1024xf32, #tpu.memory_space<hbm>> -> memref<8x1024xf32, #tpu.memory_space<hbm>>
    tpu.wait_dma2 semaphore(%arg12 : memref<!tpu.dma_semaphore, #tpu.memory_space<semaphore_mem>>) src(%dma_wait3A_536 : memref<8x1024xf32, #tpu.memory_space<hbm>>) dst(%arg6 : memref<8x1024xf32, #tpu.memory_space<vmem>>)
    %get3A_537 = arith.constant 8 : i32
    %get3A_538 = arith.index_cast %get3A_537 : i32 to index
    %get3A_539 = arith.constant 0 : index
    %get3A_540 = tpu.vector_load %arg10[%get3A_538, %get3A_539] {strides = array<i32>} : memref<48x16xf32, #tpu.memory_space<vmem>>, vector<1x16xf32>,
    %get3A_541 = vector.shape_cast %get3A_540 : vector<1x16xf32> to vector<16xf32>
    %get3A_542 = arith.constant 9 : i32
    %get3A_543 = arith.index_cast %get3A_542 : i32 to index
    %get3A_544 = arith.constant 0 : index
    %get3A_545 = tpu.vector_load %arg10[%get3A_543, %get3A_544] {strides = array<i32>} : memref<48x16xf32, #tpu.memory_space<vmem>>, vector<1x16xf32>,
    %get3A_546 = vector.shape_cast %get3A_545 : vector<1x16xf32> to vector<16xf32>
    %get3A_547 = arith.constant 10 : i32
    %get3A_548 = arith.index_cast %get3A_547 : i32 to index
    %get3A_549 = arith.constant 0 : index
    %get3A_550 = tpu.vector_load %arg10[%get3A_548, %get3A_549] {strides = array<i32>} : memref<48x16xf32, #tpu.memory_space<vmem>>, vector<1x16xf32>,
    %get3A_551 = vector.shape_cast %get3A_550 : vector<1x16xf32> to vector<16xf32>
    %get3A_552 = arith.constant 11 : i32
    %get3A_553 = arith.index_cast %get3A_552 : i32 to index
    %get3A_554 = arith.constant 0 : index
    %get3A_555 = tpu.vector_load %arg10[%get3A_553, %get3A_554] {strides = array<i32>} : memref<48x16xf32, #tpu.memory_space<vmem>>, vector<1x16xf32>,
    %get3A_556 = vector.shape_cast %get3A_555 : vector<1x16xf32> to vector<16xf32>
    %get3A_557 = arith.constant 12 : i32
    %get3A_558 = arith.index_cast %get3A_557 : i32 to index
    %get3A_559 = arith.constant 0 : index
    %get3A_560 = tpu.vector_load %arg10[%get3A_558, %get3A_559] {strides = array<i32>} : memref<48x16xf32, #tpu.memory_space<vmem>>, vector<1x16xf32>,
    %get3A_561 = vector.shape_cast %get3A_560 : vector<1x16xf32> to vector<16xf32>
    %get3A_562 = arith.constant 13 : i32
    %get3A_563 = arith.index_cast %get3A_562 : i32 to index
    %get3A_564 = arith.constant 0 : index
    %get3A_565 = tpu.vector_load %arg10[%get3A_563, %get3A_564] {strides = array<i32>} : memref<48x16xf32, #tpu.memory_space<vmem>>, vector<1x16xf32>,
    %get3A_566 = vector.shape_cast %get3A_565 : vector<1x16xf32> to vector<16xf32>
    %get3A_567 = arith.constant 14 : i32
    %get3A_568 = arith.index_cast %get3A_567 : i32 to index
    %get3A_569 = arith.constant 0 : index
    %get3A_570 = tpu.vector_load %arg10[%get3A_568, %get3A_569] {strides = array<i32>} : memref<48x16xf32, #tpu.memory_space<vmem>>, vector<1x16xf32>,
    %get3A_571 = vector.shape_cast %get3A_570 : vector<1x16xf32> to vector<16xf32>
    %get3A_572 = arith.constant 15 : i32
    %get3A_573 = arith.index_cast %get3A_572 : i32 to index
    %get3A_574 = arith.constant 0 : index
    %get3A_575 = tpu.vector_load %arg10[%get3A_573, %get3A_574] {strides = array<i32>} : memref<48x16xf32, #tpu.memory_space<vmem>>, vector<1x16xf32>,
    %get3A_576 = vector.shape_cast %get3A_575 : vector<1x16xf32> to vector<16xf32>
    %scan3A_577 = arith.constant 0 : i32
    %scan3A_578 = arith.constant 0 : i32
    %scan3A_579 = arith.constant 64 : i32
    %scan3A_580 = arith.addi %scan3A_578, %scan3A_579 : i32
    %scan3A_581 = arith.constant 1 : i32
    scf.for %scan3A_849 = %scan3A_578 to %scan3A_580 step %scan3A_581  : i32 {
      %mul3A_850 = arith.constant 16 : i32
      %mul3A_851 = arith.muli %scan3A_849, %mul3A_850 : i32
      %get3A_852 = arith.constant 0 : i32
      %get3A_853 = arith.index_cast %get3A_852 : i32 to index
      %get3A_854 = arith.index_cast %mul3A_851 : i32 to index
      %get3A_855 = tpu.vector_load %arg6[%get3A_853, %get3A_854] {strides = array<i32>} : memref<8x1024xf32, #tpu.memory_space<vmem>>, vector<1x16xf32>,
      %get3A_856 = vector.shape_cast %get3A_855 : vector<1x16xf32> to vector<16xf32>
      %add3A_857 = arith.addf %get3A_856, %get3A_541 : vector<16xf32>
      %swap3A_858 = arith.constant 0 : i32
      %swap3A_859 = arith.index_cast %swap3A_858 : i32 to index
      %swap3A_860 = arith.index_cast %mul3A_851 : i32 to index
      %swap3A_861 = tpu.vector_load %arg6[%swap3A_859, %swap3A_860] {strides = array<i32>} : memref<8x1024xf32, #tpu.memory_space<vmem>>, vector<1x16xf32>,
      %swap3A_862 = vector.shape_cast %swap3A_861 : vector<1x16xf32> to vector<16xf32>
      %swap3A_863 = vector.shape_cast %add3A_857 : vector<16xf32> to vector<1x16xf32>
      tpu.vector_store %arg6[%swap3A_859, %swap3A_860], %swap3A_863 {strides = array<i32>} : memref<8x1024xf32, #tpu.memory_space<vmem>>, vector<1x16xf32>,
      %get3A_864 = arith.constant 1 : i32
      %get3A_865 = arith.index_cast %get3A_864 : i32 to index
      %get3A_866 = arith.index_cast %mul3A_851 : i32 to index
      %get3A_867 = tpu.vector_load %arg6[%get3A_865, %get3A_866] {strides = array<i32>} : memref<8x1024xf32, #tpu.memory_space<vmem>>, vector<1x16xf32>,
      %get3A_868 = vector.shape_cast %get3A_867 : vector<1x16xf32> to vector<16xf32>
      %add3A_869 = arith.addf %get3A_868, %get3A_546 : vector<16xf32>
      %swap3A_870 = arith.constant 1 : i32
      %swap3A_871 = arith.index_cast %swap3A_870 : i32 to index
      %swap3A_872 = arith.index_cast %mul3A_851 : i32 to index
      %swap3A_873 = tpu.vector_load %arg6[%swap3A_871, %swap3A_872] {strides = array<i32>} : memref<8x1024xf32, #tpu.memory_space<vmem>>, vector<1x16xf32>,
      %swap3A_874 = vector.shape_cast %swap3A_873 : vector<1x16xf32> to vector<16xf32>
      %swap3A_875 = vector.shape_cast %add3A_869 : vector<16xf32> to vector<1x16xf32>
      tpu.vector_store %arg6[%swap3A_871, %swap3A_872], %swap3A_875 {strides = array<i32>} : memref<8x1024xf32, #tpu.memory_space<vmem>>, vector<1x16xf32>,
      %get3A_876 = arith.constant 2 : i32
      %get3A_877 = arith.index_cast %get3A_876 : i32 to index
      %get3A_878 = arith.index_cast %mul3A_851 : i32 to index
      %get3A_879 = tpu.vector_load %arg6[%get3A_877, %get3A_878] {strides = array<i32>} : memref<8x1024xf32, #tpu.memory_space<vmem>>, vector<1x16xf32>,
      %get3A_880 = vector.shape_cast %get3A_879 : vector<1x16xf32> to vector<16xf32>
      %add3A_881 = arith.addf %get3A_880, %get3A_551 : vector<16xf32>
      %swap3A_882 = arith.constant 2 : i32
      %swap3A_883 = arith.index_cast %swap3A_882 : i32 to index
      %swap3A_884 = arith.index_cast %mul3A_851 : i32 to index
      %swap3A_885 = tpu.vector_load %arg6[%swap3A_883, %swap3A_884] {strides = array<i32>} : memref<8x1024xf32, #tpu.memory_space<vmem>>, vector<1x16xf32>,
      %swap3A_886 = vector.shape_cast %swap3A_885 : vector<1x16xf32> to vector<16xf32>
      %swap3A_887 = vector.shape_cast %add3A_881 : vector<16xf32> to vector<1x16xf32>
      tpu.vector_store %arg6[%swap3A_883, %swap3A_884], %swap3A_887 {strides = array<i32>} : memref<8x1024xf32, #tpu.memory_space<vmem>>, vector<1x16xf32>,
      %get3A_888 = arith.constant 3 : i32
      %get3A_889 = arith.index_cast %get3A_888 : i32 to index
      %get3A_890 = arith.index_cast %mul3A_851 : i32 to index
      %get3A_891 = tpu.vector_load %arg6[%get3A_889, %get3A_890] {strides = array<i32>} : memref<8x1024xf32, #tpu.memory_space<vmem>>, vector<1x16xf32>,
      %get3A_892 = vector.shape_cast %get3A_891 : vector<1x16xf32> to vector<16xf32>
      %add3A_893 = arith.addf %get3A_892, %get3A_556 : vector<16xf32>
      %swap3A_894 = arith.constant 3 : i32
      %swap3A_895 = arith.index_cast %swap3A_894 : i32 to index
      %swap3A_896 = arith.index_cast %mul3A_851 : i32 to index
      %swap3A_897 = tpu.vector_load %arg6[%swap3A_895, %swap3A_896] {strides = array<i32>} : memref<8x1024xf32, #tpu.memory_space<vmem>>, vector<1x16xf32>,
      %swap3A_898 = vector.shape_cast %swap3A_897 : vector<1x16xf32> to vector<16xf32>
      %swap3A_899 = vector.shape_cast %add3A_893 : vector<16xf32> to vector<1x16xf32>
      tpu.vector_store %arg6[%swap3A_895, %swap3A_896], %swap3A_899 {strides = array<i32>} : memref<8x1024xf32, #tpu.memory_space<vmem>>, vector<1x16xf32>,
      %get3A_900 = arith.constant 4 : i32
      %get3A_901 = arith.index_cast %get3A_900 : i32 to index
      %get3A_902 = arith.index_cast %mul3A_851 : i32 to index
      %get3A_903 = tpu.vector_load %arg6[%get3A_901, %get3A_902] {strides = array<i32>} : memref<8x1024xf32, #tpu.memory_space<vmem>>, vector<1x16xf32>,
      %get3A_904 = vector.shape_cast %get3A_903 : vector<1x16xf32> to vector<16xf32>
      %add3A_905 = arith.addf %get3A_904, %get3A_561 : vector<16xf32>
      %swap3A_906 = arith.constant 4 : i32
      %swap3A_907 = arith.index_cast %swap3A_906 : i32 to index
      %swap3A_908 = arith.index_cast %mul3A_851 : i32 to index
      %swap3A_909 = tpu.vector_load %arg6[%swap3A_907, %swap3A_908] {strides = array<i32>} : memref<8x1024xf32, #tpu.memory_space<vmem>>, vector<1x16xf32>,
      %swap3A_910 = vector.shape_cast %swap3A_909 : vector<1x16xf32> to vector<16xf32>
      %swap3A_911 = vector.shape_cast %add3A_905 : vector<16xf32> to vector<1x16xf32>
      tpu.vector_store %arg6[%swap3A_907, %swap3A_908], %swap3A_911 {strides = array<i32>} : memref<8x1024xf32, #tpu.memory_space<vmem>>, vector<1x16xf32>,
      %get3A_912 = arith.constant 5 : i32
      %get3A_913 = arith.index_cast %get3A_912 : i32 to index
      %get3A_914 = arith.index_cast %mul3A_851 : i32 to index
      %get3A_915 = tpu.vector_load %arg6[%get3A_913, %get3A_914] {strides = array<i32>} : memref<8x1024xf32, #tpu.memory_space<vmem>>, vector<1x16xf32>,
      %get3A_916 = vector.shape_cast %get3A_915 : vector<1x16xf32> to vector<16xf32>
      %add3A_917 = arith.addf %get3A_916, %get3A_566 : vector<16xf32>
      %swap3A_918 = arith.constant 5 : i32
      %swap3A_919 = arith.index_cast %swap3A_918 : i32 to index
      %swap3A_920 = arith.index_cast %mul3A_851 : i32 to index
      %swap3A_921 = tpu.vector_load %arg6[%swap3A_919, %swap3A_920] {strides = array<i32>} : memref<8x1024xf32, #tpu.memory_space<vmem>>, vector<1x16xf32>,
      %swap3A_922 = vector.shape_cast %swap3A_921 : vector<1x16xf32> to vector<16xf32>
      %swap3A_923 = vector.shape_cast %add3A_917 : vector<16xf32> to vector<1x16xf32>
      tpu.vector_store %arg6[%swap3A_919, %swap3A_920], %swap3A_923 {strides = array<i32>} : memref<8x1024xf32, #tpu.memory_space<vmem>>, vector<1x16xf32>,
      %get3A_924 = arith.constant 6 : i32
      %get3A_925 = arith.index_cast %get3A_924 : i32 to index
      %get3A_926 = arith.index_cast %mul3A_851 : i32 to index
      %get3A_927 = tpu.vector_load %arg6[%get3A_925, %get3A_926] {strides = array<i32>} : memref<8x1024xf32, #tpu.memory_space<vmem>>, vector<1x16xf32>,
      %get3A_928 = vector.shape_cast %get3A_927 : vector<1x16xf32> to vector<16xf32>
      %add3A_929 = arith.addf %get3A_928, %get3A_571 : vector<16xf32>
      %swap3A_930 = arith.constant 6 : i32
      %swap3A_931 = arith.index_cast %swap3A_930 : i32 to index
      %swap3A_932 = arith.index_cast %mul3A_851 : i32 to index
      %swap3A_933 = tpu.vector_load %arg6[%swap3A_931, %swap3A_932] {strides = array<i32>} : memref<8x1024xf32, #tpu.memory_space<vmem>>, vector<1x16xf32>,
      %swap3A_934 = vector.shape_cast %swap3A_933 : vector<1x16xf32> to vector<16xf32>
      %swap3A_935 = vector.shape_cast %add3A_929 : vector<16xf32> to vector<1x16xf32>
      tpu.vector_store %arg6[%swap3A_931, %swap3A_932], %swap3A_935 {strides = array<i32>} : memref<8x1024xf32, #tpu.memory_space<vmem>>, vector<1x16xf32>,
      %get3A_936 = arith.constant 7 : i32
      %get3A_937 = arith.index_cast %get3A_936 : i32 to index
      %get3A_938 = arith.index_cast %mul3A_851 : i32 to index
      %get3A_939 = tpu.vector_load %arg6[%get3A_937, %get3A_938] {strides = array<i32>} : memref<8x1024xf32, #tpu.memory_space<vmem>>, vector<1x16xf32>,
      %get3A_940 = vector.shape_cast %get3A_939 : vector<1x16xf32> to vector<16xf32>
      %add3A_941 = arith.addf %get3A_940, %get3A_576 : vector<16xf32>
      %swap3A_942 = arith.constant 7 : i32
      %swap3A_943 = arith.index_cast %swap3A_942 : i32 to index
      %swap3A_944 = arith.index_cast %mul3A_851 : i32 to index
      %swap3A_945 = tpu.vector_load %arg6[%swap3A_943, %swap3A_944] {strides = array<i32>} : memref<8x1024xf32, #tpu.memory_space<vmem>>, vector<1x16xf32>,
      %swap3A_946 = vector.shape_cast %swap3A_945 : vector<1x16xf32> to vector<16xf32>
      %swap3A_947 = vector.shape_cast %add3A_941 : vector<16xf32> to vector<1x16xf32>
      tpu.vector_store %arg6[%swap3A_943, %swap3A_944], %swap3A_947 {strides = array<i32>} : memref<8x1024xf32, #tpu.memory_space<vmem>>, vector<1x16xf32>,
    }
    %scan3A_582 = arith.constant 64 : i32
    %add3A_583 = arith.constant 8 : i32
    %add3A_584 = arith.addi %mul3A_2, %add3A_583 : i32
    %dma_start3A_585 = arith.constant 0 : i32
    %dma_start3A_586 = tpu.memref_slice %arg4[%add3A_584, %dma_start3A_585] : memref<1536x1024xf32, #tpu.memory_space<hbm>> -> memref<8x1024xf32, #tpu.memory_space<hbm>>
    %dma_start3A_587 = arith.constant 0 : i32
    %dma_start3A_588 = tpu.memref_slice %arg4[%add3A_584, %dma_start3A_587] : memref<1536x1024xf32, #tpu.memory_space<hbm>> -> memref<8x1024xf32, #tpu.memory_space<hbm>>
    tpu.enqueue_dma source(%arg6 : memref<8x1024xf32, #tpu.memory_space<vmem>>) target(%dma_start3A_588 : memref<8x1024xf32, #tpu.memory_space<hbm>>) target_semaphore(%arg16 : memref<!tpu.dma_semaphore, #tpu.memory_space<semaphore_mem>>)
    %dma_wait3A_589 = arith.constant 0 : i32
    %dma_wait3A_590 = tpu.memref_slice %arg4[%add3A_522, %dma_wait3A_589] : memref<1536x1024xf32, #tpu.memory_space<hbm>> -> memref<8x1024xf32, #tpu.memory_space<hbm>>
    %dma_wait3A_591 = arith.constant 0 : i32
    %dma_wait3A_592 = tpu.memref_slice %arg4[%add3A_522, %dma_wait3A_591] : memref<1536x1024xf32, #tpu.memory_space<hbm>> -> memref<8x1024xf32, #tpu.memory_space<hbm>>
    tpu.wait_dma2 semaphore(%arg15 : memref<!tpu.dma_semaphore, #tpu.memory_space<semaphore_mem>>) src(%arg5 : memref<8x1024xf32, #tpu.memory_space<vmem>>) dst(%dma_wait3A_592 : memref<8x1024xf32, #tpu.memory_space<hbm>>)
    %add3A_593 = arith.constant 32 : i32
    %add3A_594 = arith.addi %mul3A_2, %add3A_593 : i32
    %dma_start3A_595 = arith.constant 0 : i32
    %dma_start3A_596 = tpu.memref_slice %arg2[%add3A_594, %dma_start3A_595] : memref<1536x1024xf32, #tpu.memory_space<hbm>> -> memref<8x1024xf32, #tpu.memory_space<hbm>>
    %dma_start3A_597 = arith.constant 0 : i32
    %dma_start3A_598 = tpu.memref_slice %arg2[%add3A_594, %dma_start3A_597] : memref<1536x1024xf32, #tpu.memory_space<hbm>> -> memref<8x1024xf32, #tpu.memory_space<hbm>>
    tpu.enqueue_dma source(%dma_start3A_598 : memref<8x1024xf32, #tpu.memory_space<hbm>>) target(%arg5 : memref<8x1024xf32, #tpu.memory_space<vmem>>) target_semaphore(%arg11 : memref<!tpu.dma_semaphore, #tpu.memory_space<semaphore_mem>>)
    %dma_wait3A_599 = arith.constant 0 : i32
    %dma_wait3A_600 = tpu.memref_slice %arg2[%add3A_468, %dma_wait3A_599] : memref<1536x1024xf32, #tpu.memory_space<hbm>> -> memref<8x1024xf32, #tpu.memory_space<hbm>>
    %dma_wait3A_601 = arith.constant 0 : i32
    %dma_wait3A_602 = tpu.memref_slice %arg2[%add3A_468, %dma_wait3A_601] : memref<1536x1024xf32, #tpu.memory_space<hbm>> -> memref<8x1024xf32, #tpu.memory_space<hbm>>
    tpu.wait_dma2 semaphore(%arg13 : memref<!tpu.dma_semaphore, #tpu.memory_space<semaphore_mem>>) src(%dma_wait3A_602 : memref<8x1024xf32, #tpu.memory_space<hbm>>) dst(%arg7 : memref<8x1024xf32, #tpu.memory_space<vmem>>)
    %get3A_603 = arith.constant 16 : i32
    %get3A_604 = arith.index_cast %get3A_603 : i32 to index
    %get3A_605 = arith.constant 0 : index
    %get3A_606 = tpu.vector_load %arg10[%get3A_604, %get3A_605] {strides = array<i32>} : memref<48x16xf32, #tpu.memory_space<vmem>>, vector<1x16xf32>,
    %get3A_607 = vector.shape_cast %get3A_606 : vector<1x16xf32> to vector<16xf32>
    %get3A_608 = arith.constant 17 : i32
    %get3A_609 = arith.index_cast %get3A_608 : i32 to index
    %get3A_610 = arith.constant 0 : index
    %get3A_611 = tpu.vector_load %arg10[%get3A_609, %get3A_610] {strides = array<i32>} : memref<48x16xf32, #tpu.memory_space<vmem>>, vector<1x16xf32>,
    %get3A_612 = vector.shape_cast %get3A_611 : vector<1x16xf32> to vector<16xf32>
    %get3A_613 = arith.constant 18 : i32
    %get3A_614 = arith.index_cast %get3A_613 : i32 to index
    %get3A_615 = arith.constant 0 : index
    %get3A_616 = tpu.vector_load %arg10[%get3A_614, %get3A_615] {strides = array<i32>} : memref<48x16xf32, #tpu.memory_space<vmem>>, vector<1x16xf32>,
    %get3A_617 = vector.shape_cast %get3A_616 : vector<1x16xf32> to vector<16xf32>
    %get3A_618 = arith.constant 19 : i32
    %get3A_619 = arith.index_cast %get3A_618 : i32 to index
    %get3A_620 = arith.constant 0 : index
    %get3A_621 = tpu.vector_load %arg10[%get3A_619, %get3A_620] {strides = array<i32>} : memref<48x16xf32, #tpu.memory_space<vmem>>, vector<1x16xf32>,
    %get3A_622 = vector.shape_cast %get3A_621 : vector<1x16xf32> to vector<16xf32>
    %get3A_623 = arith.constant 20 : i32
    %get3A_624 = arith.index_cast %get3A_623 : i32 to index
    %get3A_625 = arith.constant 0 : index
    %get3A_626 = tpu.vector_load %arg10[%get3A_624, %get3A_625] {strides = array<i32>} : memref<48x16xf32, #tpu.memory_space<vmem>>, vector<1x16xf32>,
    %get3A_627 = vector.shape_cast %get3A_626 : vector<1x16xf32> to vector<16xf32>
    %get3A_628 = arith.constant 21 : i32
    %get3A_629 = arith.index_cast %get3A_628 : i32 to index
    %get3A_630 = arith.constant 0 : index
    %get3A_631 = tpu.vector_load %arg10[%get3A_629, %get3A_630] {strides = array<i32>} : memref<48x16xf32, #tpu.memory_space<vmem>>, vector<1x16xf32>,
    %get3A_632 = vector.shape_cast %get3A_631 : vector<1x16xf32> to vector<16xf32>
    %get3A_633 = arith.constant 22 : i32
    %get3A_634 = arith.index_cast %get3A_633 : i32 to index
    %get3A_635 = arith.constant 0 : index
    %get3A_636 = tpu.vector_load %arg10[%get3A_634, %get3A_635] {strides = array<i32>} : memref<48x16xf32, #tpu.memory_space<vmem>>, vector<1x16xf32>,
    %get3A_637 = vector.shape_cast %get3A_636 : vector<1x16xf32> to vector<16xf32>
    %get3A_638 = arith.constant 23 : i32
    %get3A_639 = arith.index_cast %get3A_638 : i32 to index
    %get3A_640 = arith.constant 0 : index
    %get3A_641 = tpu.vector_load %arg10[%get3A_639, %get3A_640] {strides = array<i32>} : memref<48x16xf32, #tpu.memory_space<vmem>>, vector<1x16xf32>,
    %get3A_642 = vector.shape_cast %get3A_641 : vector<1x16xf32> to vector<16xf32>
    %scan3A_643 = arith.constant 0 : i32
    %scan3A_644 = arith.constant 0 : i32
    %scan3A_645 = arith.constant 64 : i32
    %scan3A_646 = arith.addi %scan3A_644, %scan3A_645 : i32
    %scan3A_647 = arith.constant 1 : i32
    scf.for %scan3A_849 = %scan3A_644 to %scan3A_646 step %scan3A_647  : i32 {
      %mul3A_850 = arith.constant 16 : i32
      %mul3A_851 = arith.muli %scan3A_849, %mul3A_850 : i32
      %get3A_852 = arith.constant 0 : i32
      %get3A_853 = arith.index_cast %get3A_852 : i32 to index
      %get3A_854 = arith.index_cast %mul3A_851 : i32 to index
      %get3A_855 = tpu.vector_load %arg7[%get3A_853, %get3A_854] {strides = array<i32>} : memref<8x1024xf32, #tpu.memory_space<vmem>>, vector<1x16xf32>,
      %get3A_856 = vector.shape_cast %get3A_855 : vector<1x16xf32> to vector<16xf32>
      %add3A_857 = arith.addf %get3A_856, %get3A_607 : vector<16xf32>
      %swap3A_858 = arith.constant 0 : i32
      %swap3A_859 = arith.index_cast %swap3A_858 : i32 to index
      %swap3A_860 = arith.index_cast %mul3A_851 : i32 to index
      %swap3A_861 = tpu.vector_load %arg7[%swap3A_859, %swap3A_860] {strides = array<i32>} : memref<8x1024xf32, #tpu.memory_space<vmem>>, vector<1x16xf32>,
      %swap3A_862 = vector.shape_cast %swap3A_861 : vector<1x16xf32> to vector<16xf32>
      %swap3A_863 = vector.shape_cast %add3A_857 : vector<16xf32> to vector<1x16xf32>
      tpu.vector_store %arg7[%swap3A_859, %swap3A_860], %swap3A_863 {strides = array<i32>} : memref<8x1024xf32, #tpu.memory_space<vmem>>, vector<1x16xf32>,
      %get3A_864 = arith.constant 1 : i32
      %get3A_865 = arith.index_cast %get3A_864 : i32 to index
      %get3A_866 = arith.index_cast %mul3A_851 : i32 to index
      %get3A_867 = tpu.vector_load %arg7[%get3A_865, %get3A_866] {strides = array<i32>} : memref<8x1024xf32, #tpu.memory_space<vmem>>, vector<1x16xf32>,
      %get3A_868 = vector.shape_cast %get3A_867 : vector<1x16xf32> to vector<16xf32>
      %add3A_869 = arith.addf %get3A_868, %get3A_612 : vector<16xf32>
      %swap3A_870 = arith.constant 1 : i32
      %swap3A_871 = arith.index_cast %swap3A_870 : i32 to index
      %swap3A_872 = arith.index_cast %mul3A_851 : i32 to index
      %swap3A_873 = tpu.vector_load %arg7[%swap3A_871, %swap3A_872] {strides = array<i32>} : memref<8x1024xf32, #tpu.memory_space<vmem>>, vector<1x16xf32>,
      %swap3A_874 = vector.shape_cast %swap3A_873 : vector<1x16xf32> to vector<16xf32>
      %swap3A_875 = vector.shape_cast %add3A_869 : vector<16xf32> to vector<1x16xf32>
      tpu.vector_store %arg7[%swap3A_871, %swap3A_872], %swap3A_875 {strides = array<i32>} : memref<8x1024xf32, #tpu.memory_space<vmem>>, vector<1x16xf32>,
      %get3A_876 = arith.constant 2 : i32
      %get3A_877 = arith.index_cast %get3A_876 : i32 to index
      %get3A_878 = arith.index_cast %mul3A_851 : i32 to index
      %get3A_879 = tpu.vector_load %arg7[%get3A_877, %get3A_878] {strides = array<i32>} : memref<8x1024xf32, #tpu.memory_space<vmem>>, vector<1x16xf32>,
      %get3A_880 = vector.shape_cast %get3A_879 : vector<1x16xf32> to vector<16xf32>
      %add3A_881 = arith.addf %get3A_880, %get3A_617 : vector<16xf32>
      %swap3A_882 = arith.constant 2 : i32
      %swap3A_883 = arith.index_cast %swap3A_882 : i32 to index
      %swap3A_884 = arith.index_cast %mul3A_851 : i32 to index
      %swap3A_885 = tpu.vector_load %arg7[%swap3A_883, %swap3A_884] {strides = array<i32>} : memref<8x1024xf32, #tpu.memory_space<vmem>>, vector<1x16xf32>,
      %swap3A_886 = vector.shape_cast %swap3A_885 : vector<1x16xf32> to vector<16xf32>
      %swap3A_887 = vector.shape_cast %add3A_881 : vector<16xf32> to vector<1x16xf32>
      tpu.vector_store %arg7[%swap3A_883, %swap3A_884], %swap3A_887 {strides = array<i32>} : memref<8x1024xf32, #tpu.memory_space<vmem>>, vector<1x16xf32>,
      %get3A_888 = arith.constant 3 : i32
      %get3A_889 = arith.index_cast %get3A_888 : i32 to index
      %get3A_890 = arith.index_cast %mul3A_851 : i32 to index
      %get3A_891 = tpu.vector_load %arg7[%get3A_889, %get3A_890] {strides = array<i32>} : memref<8x1024xf32, #tpu.memory_space<vmem>>, vector<1x16xf32>,
      %get3A_892 = vector.shape_cast %get3A_891 : vector<1x16xf32> to vector<16xf32>
      %add3A_893 = arith.addf %get3A_892, %get3A_622 : vector<16xf32>
      %swap3A_894 = arith.constant 3 : i32
      %swap3A_895 = arith.index_cast %swap3A_894 : i32 to index
      %swap3A_896 = arith.index_cast %mul3A_851 : i32 to index
      %swap3A_897 = tpu.vector_load %arg7[%swap3A_895, %swap3A_896] {strides = array<i32>} : memref<8x1024xf32, #tpu.memory_space<vmem>>, vector<1x16xf32>,
      %swap3A_898 = vector.shape_cast %swap3A_897 : vector<1x16xf32> to vector<16xf32>
      %swap3A_899 = vector.shape_cast %add3A_893 : vector<16xf32> to vector<1x16xf32>
      tpu.vector_store %arg7[%swap3A_895, %swap3A_896], %swap3A_899 {strides = array<i32>} : memref<8x1024xf32, #tpu.memory_space<vmem>>, vector<1x16xf32>,
      %get3A_900 = arith.constant 4 : i32
      %get3A_901 = arith.index_cast %get3A_900 : i32 to index
      %get3A_902 = arith.index_cast %mul3A_851 : i32 to index
      %get3A_903 = tpu.vector_load %arg7[%get3A_901, %get3A_902] {strides = array<i32>} : memref<8x1024xf32, #tpu.memory_space<vmem>>, vector<1x16xf32>,
      %get3A_904 = vector.shape_cast %get3A_903 : vector<1x16xf32> to vector<16xf32>
      %add3A_905 = arith.addf %get3A_904, %get3A_627 : vector<16xf32>
      %swap3A_906 = arith.constant 4 : i32
      %swap3A_907 = arith.index_cast %swap3A_906 : i32 to index
      %swap3A_908 = arith.index_cast %mul3A_851 : i32 to index
      %swap3A_909 = tpu.vector_load %arg7[%swap3A_907, %swap3A_908] {strides = array<i32>} : memref<8x1024xf32, #tpu.memory_space<vmem>>, vector<1x16xf32>,
      %swap3A_910 = vector.shape_cast %swap3A_909 : vector<1x16xf32> to vector<16xf32>
      %swap3A_911 = vector.shape_cast %add3A_905 : vector<16xf32> to vector<1x16xf32>
      tpu.vector_store %arg7[%swap3A_907, %swap3A_908], %swap3A_911 {strides = array<i32>} : memref<8x1024xf32, #tpu.memory_space<vmem>>, vector<1x16xf32>,
      %get3A_912 = arith.constant 5 : i32
      %get3A_913 = arith.index_cast %get3A_912 : i32 to index
      %get3A_914 = arith.index_cast %mul3A_851 : i32 to index
      %get3A_915 = tpu.vector_load %arg7[%get3A_913, %get3A_914] {strides = array<i32>} : memref<8x1024xf32, #tpu.memory_space<vmem>>, vector<1x16xf32>,
      %get3A_916 = vector.shape_cast %get3A_915 : vector<1x16xf32> to vector<16xf32>
      %add3A_917 = arith.addf %get3A_916, %get3A_632 : vector<16xf32>
      %swap3A_918 = arith.constant 5 : i32
      %swap3A_919 = arith.index_cast %swap3A_918 : i32 to index
      %swap3A_920 = arith.index_cast %mul3A_851 : i32 to index
      %swap3A_921 = tpu.vector_load %arg7[%swap3A_919, %swap3A_920] {strides = array<i32>} : memref<8x1024xf32, #tpu.memory_space<vmem>>, vector<1x16xf32>,
      %swap3A_922 = vector.shape_cast %swap3A_921 : vector<1x16xf32> to vector<16xf32>
      %swap3A_923 = vector.shape_cast %add3A_917 : vector<16xf32> to vector<1x16xf32>
      tpu.vector_store %arg7[%swap3A_919, %swap3A_920], %swap3A_923 {strides = array<i32>} : memref<8x1024xf32, #tpu.memory_space<vmem>>, vector<1x16xf32>,
      %get3A_924 = arith.constant 6 : i32
      %get3A_925 = arith.index_cast %get3A_924 : i32 to index
      %get3A_926 = arith.index_cast %mul3A_851 : i32 to index
      %get3A_927 = tpu.vector_load %arg7[%get3A_925, %get3A_926] {strides = array<i32>} : memref<8x1024xf32, #tpu.memory_space<vmem>>, vector<1x16xf32>,
      %get3A_928 = vector.shape_cast %get3A_927 : vector<1x16xf32> to vector<16xf32>
      %add3A_929 = arith.addf %get3A_928, %get3A_637 : vector<16xf32>
      %swap3A_930 = arith.constant 6 : i32
      %swap3A_931 = arith.index_cast %swap3A_930 : i32 to index
      %swap3A_932 = arith.index_cast %mul3A_851 : i32 to index
      %swap3A_933 = tpu.vector_load %arg7[%swap3A_931, %swap3A_932] {strides = array<i32>} : memref<8x1024xf32, #tpu.memory_space<vmem>>, vector<1x16xf32>,
      %swap3A_934 = vector.shape_cast %swap3A_933 : vector<1x16xf32> to vector<16xf32>
      %swap3A_935 = vector.shape_cast %add3A_929 : vector<16xf32> to vector<1x16xf32>
      tpu.vector_store %arg7[%swap3A_931, %swap3A_932], %swap3A_935 {strides = array<i32>} : memref<8x1024xf32, #tpu.memory_space<vmem>>, vector<1x16xf32>,
      %get3A_936 = arith.constant 7 : i32
      %get3A_937 = arith.index_cast %get3A_936 : i32 to index
      %get3A_938 = arith.index_cast %mul3A_851 : i32 to index
      %get3A_939 = tpu.vector_load %arg7[%get3A_937, %get3A_938] {strides = array<i32>} : memref<8x1024xf32, #tpu.memory_space<vmem>>, vector<1x16xf32>,
      %get3A_940 = vector.shape_cast %get3A_939 : vector<1x16xf32> to vector<16xf32>
      %add3A_941 = arith.addf %get3A_940, %get3A_642 : vector<16xf32>
      %swap3A_942 = arith.constant 7 : i32
      %swap3A_943 = arith.index_cast %swap3A_942 : i32 to index
      %swap3A_944 = arith.index_cast %mul3A_851 : i32 to index
      %swap3A_945 = tpu.vector_load %arg7[%swap3A_943, %swap3A_944] {strides = array<i32>} : memref<8x1024xf32, #tpu.memory_space<vmem>>, vector<1x16xf32>,
      %swap3A_946 = vector.shape_cast %swap3A_945 : vector<1x16xf32> to vector<16xf32>
      %swap3A_947 = vector.shape_cast %add3A_941 : vector<16xf32> to vector<1x16xf32>
      tpu.vector_store %arg7[%swap3A_943, %swap3A_944], %swap3A_947 {strides = array<i32>} : memref<8x1024xf32, #tpu.memory_space<vmem>>, vector<1x16xf32>,
    }
    %scan3A_648 = arith.constant 64 : i32
    %add3A_649 = arith.constant 16 : i32
    %add3A_650 = arith.addi %mul3A_2, %add3A_649 : i32
    %dma_start3A_651 = arith.constant 0 : i32
    %dma_start3A_652 = tpu.memref_slice %arg4[%add3A_650, %dma_start3A_651] : memref<1536x1024xf32, #tpu.memory_space<hbm>> -> memref<8x1024xf32, #tpu.memory_space<hbm>>
    %dma_start3A_653 = arith.constant 0 : i32
    %dma_start3A_654 = tpu.memref_slice %arg4[%add3A_650, %dma_start3A_653] : memref<1536x1024xf32, #tpu.memory_space<hbm>> -> memref<8x1024xf32, #tpu.memory_space<hbm>>
    tpu.enqueue_dma source(%arg7 : memref<8x1024xf32, #tpu.memory_space<vmem>>) target(%dma_start3A_654 : memref<8x1024xf32, #tpu.memory_space<hbm>>) target_semaphore(%arg17 : memref<!tpu.dma_semaphore, #tpu.memory_space<semaphore_mem>>)
    %dma_wait3A_655 = arith.constant 0 : i32
    %dma_wait3A_656 = tpu.memref_slice %arg4[%add3A_584, %dma_wait3A_655] : memref<1536x1024xf32, #tpu.memory_space<hbm>> -> memref<8x1024xf32, #tpu.memory_space<hbm>>
    %dma_wait3A_657 = arith.constant 0 : i32
    %dma_wait3A_658 = tpu.memref_slice %arg4[%add3A_584, %dma_wait3A_657] : memref<1536x1024xf32, #tpu.memory_space<hbm>> -> memref<8x1024xf32, #tpu.memory_space<hbm>>
    tpu.wait_dma2 semaphore(%arg16 : memref<!tpu.dma_semaphore, #tpu.memory_space<semaphore_mem>>) src(%arg6 : memref<8x1024xf32, #tpu.memory_space<vmem>>) dst(%dma_wait3A_658 : memref<8x1024xf32, #tpu.memory_space<hbm>>)
    %add3A_659 = arith.constant 40 : i32
    %add3A_660 = arith.addi %mul3A_2, %add3A_659 : i32
    %dma_start3A_661 = arith.constant 0 : i32
    %dma_start3A_662 = tpu.memref_slice %arg2[%add3A_660, %dma_start3A_661] : memref<1536x1024xf32, #tpu.memory_space<hbm>> -> memref<8x1024xf32, #tpu.memory_space<hbm>>
    %dma_start3A_663 = arith.constant 0 : i32
    %dma_start3A_664 = tpu.memref_slice %arg2[%add3A_660, %dma_start3A_663] : memref<1536x1024xf32, #tpu.memory_space<hbm>> -> memref<8x1024xf32, #tpu.memory_space<hbm>>
    tpu.enqueue_dma source(%dma_start3A_664 : memref<8x1024xf32, #tpu.memory_space<hbm>>) target(%arg6 : memref<8x1024xf32, #tpu.memory_space<vmem>>) target_semaphore(%arg12 : memref<!tpu.dma_semaphore, #tpu.memory_space<semaphore_mem>>)
    %dma_wait3A_665 = arith.constant 0 : i32
    %dma_wait3A_666 = tpu.memref_slice %arg2[%add3A_528, %dma_wait3A_665] : memref<1536x1024xf32, #tpu.memory_space<hbm>> -> memref<8x1024xf32, #tpu.memory_space<hbm>>
    %dma_wait3A_667 = arith.constant 0 : i32
    %dma_wait3A_668 = tpu.memref_slice %arg2[%add3A_528, %dma_wait3A_667] : memref<1536x1024xf32, #tpu.memory_space<hbm>> -> memref<8x1024xf32, #tpu.memory_space<hbm>>
    tpu.wait_dma2 semaphore(%arg14 : memref<!tpu.dma_semaphore, #tpu.memory_space<semaphore_mem>>) src(%dma_wait3A_668 : memref<8x1024xf32, #tpu.memory_space<hbm>>) dst(%arg8 : memref<8x1024xf32, #tpu.memory_space<vmem>>)
    %get3A_669 = arith.constant 24 : i32
    %get3A_670 = arith.index_cast %get3A_669 : i32 to index
    %get3A_671 = arith.constant 0 : index
    %get3A_672 = tpu.vector_load %arg10[%get3A_670, %get3A_671] {strides = array<i32>} : memref<48x16xf32, #tpu.memory_space<vmem>>, vector<1x16xf32>,
    %get3A_673 = vector.shape_cast %get3A_672 : vector<1x16xf32> to vector<16xf32>
    %get3A_674 = arith.constant 25 : i32
    %get3A_675 = arith.index_cast %get3A_674 : i32 to index
    %get3A_676 = arith.constant 0 : index
    %get3A_677 = tpu.vector_load %arg10[%get3A_675, %get3A_676] {strides = array<i32>} : memref<48x16xf32, #tpu.memory_space<vmem>>, vector<1x16xf32>,
    %get3A_678 = vector.shape_cast %get3A_677 : vector<1x16xf32> to vector<16xf32>
    %get3A_679 = arith.constant 26 : i32
    %get3A_680 = arith.index_cast %get3A_679 : i32 to index
    %get3A_681 = arith.constant 0 : index
    %get3A_682 = tpu.vector_load %arg10[%get3A_680, %get3A_681] {strides = array<i32>} : memref<48x16xf32, #tpu.memory_space<vmem>>, vector<1x16xf32>,
    %get3A_683 = vector.shape_cast %get3A_682 : vector<1x16xf32> to vector<16xf32>
    %get3A_684 = arith.constant 27 : i32
    %get3A_685 = arith.index_cast %get3A_684 : i32 to index
    %get3A_686 = arith.constant 0 : index
    %get3A_687 = tpu.vector_load %arg10[%get3A_685, %get3A_686] {strides = array<i32>} : memref<48x16xf32, #tpu.memory_space<vmem>>, vector<1x16xf32>,
    %get3A_688 = vector.shape_cast %get3A_687 : vector<1x16xf32> to vector<16xf32>
    %get3A_689 = arith.constant 28 : i32
    %get3A_690 = arith.index_cast %get3A_689 : i32 to index
    %get3A_691 = arith.constant 0 : index
    %get3A_692 = tpu.vector_load %arg10[%get3A_690, %get3A_691] {strides = array<i32>} : memref<48x16xf32, #tpu.memory_space<vmem>>, vector<1x16xf32>,
    %get3A_693 = vector.shape_cast %get3A_692 : vector<1x16xf32> to vector<16xf32>
    %get3A_694 = arith.constant 29 : i32
    %get3A_695 = arith.index_cast %get3A_694 : i32 to index
    %get3A_696 = arith.constant 0 : index
    %get3A_697 = tpu.vector_load %arg10[%get3A_695, %get3A_696] {strides = array<i32>} : memref<48x16xf32, #tpu.memory_space<vmem>>, vector<1x16xf32>,
    %get3A_698 = vector.shape_cast %get3A_697 : vector<1x16xf32> to vector<16xf32>
    %get3A_699 = arith.constant 30 : i32
    %get3A_700 = arith.index_cast %get3A_699 : i32 to index
    %get3A_701 = arith.constant 0 : index
    %get3A_702 = tpu.vector_load %arg10[%get3A_700, %get3A_701] {strides = array<i32>} : memref<48x16xf32, #tpu.memory_space<vmem>>, vector<1x16xf32>,
    %get3A_703 = vector.shape_cast %get3A_702 : vector<1x16xf32> to vector<16xf32>
    %get3A_704 = arith.constant 31 : i32
    %get3A_705 = arith.index_cast %get3A_704 : i32 to index
    %get3A_706 = arith.constant 0 : index
    %get3A_707 = tpu.vector_load %arg10[%get3A_705, %get3A_706] {strides = array<i32>} : memref<48x16xf32, #tpu.memory_space<vmem>>, vector<1x16xf32>,
    %get3A_708 = vector.shape_cast %get3A_707 : vector<1x16xf32> to vector<16xf32>
    %scan3A_709 = arith.constant 0 : i32
    %scan3A_710 = arith.constant 0 : i32
    %scan3A_711 = arith.constant 64 : i32
    %scan3A_712 = arith.addi %scan3A_710, %scan3A_711 : i32
    %scan3A_713 = arith.constant 1 : i32
    scf.for %scan3A_849 = %scan3A_710 to %scan3A_712 step %scan3A_713  : i32 {
      %mul3A_850 = arith.constant 16 : i32
      %mul3A_851 = arith.muli %scan3A_849, %mul3A_850 : i32
      %get3A_852 = arith.constant 0 : i32
      %get3A_853 = arith.index_cast %get3A_852 : i32 to index
      %get3A_854 = arith.index_cast %mul3A_851 : i32 to index
      %get3A_855 = tpu.vector_load %arg8[%get3A_853, %get3A_854] {strides = array<i32>} : memref<8x1024xf32, #tpu.memory_space<vmem>>, vector<1x16xf32>,
      %get3A_856 = vector.shape_cast %get3A_855 : vector<1x16xf32> to vector<16xf32>
      %add3A_857 = arith.addf %get3A_856, %get3A_673 : vector<16xf32>
      %swap3A_858 = arith.constant 0 : i32
      %swap3A_859 = arith.index_cast %swap3A_858 : i32 to index
      %swap3A_860 = arith.index_cast %mul3A_851 : i32 to index
      %swap3A_861 = tpu.vector_load %arg8[%swap3A_859, %swap3A_860] {strides = array<i32>} : memref<8x1024xf32, #tpu.memory_space<vmem>>, vector<1x16xf32>,
      %swap3A_862 = vector.shape_cast %swap3A_861 : vector<1x16xf32> to vector<16xf32>
      %swap3A_863 = vector.shape_cast %add3A_857 : vector<16xf32> to vector<1x16xf32>
      tpu.vector_store %arg8[%swap3A_859, %swap3A_860], %swap3A_863 {strides = array<i32>} : memref<8x1024xf32, #tpu.memory_space<vmem>>, vector<1x16xf32>,
      %get3A_864 = arith.constant 1 : i32
      %get3A_865 = arith.index_cast %get3A_864 : i32 to index
      %get3A_866 = arith.index_cast %mul3A_851 : i32 to index
      %get3A_867 = tpu.vector_load %arg8[%get3A_865, %get3A_866] {strides = array<i32>} : memref<8x1024xf32, #tpu.memory_space<vmem>>, vector<1x16xf32>,
      %get3A_868 = vector.shape_cast %get3A_867 : vector<1x16xf32> to vector<16xf32>
      %add3A_869 = arith.addf %get3A_868, %get3A_678 : vector<16xf32>
      %swap3A_870 = arith.constant 1 : i32
      %swap3A_871 = arith.index_cast %swap3A_870 : i32 to index
      %swap3A_872 = arith.index_cast %mul3A_851 : i32 to index
      %swap3A_873 = tpu.vector_load %arg8[%swap3A_871, %swap3A_872] {strides = array<i32>} : memref<8x1024xf32, #tpu.memory_space<vmem>>, vector<1x16xf32>,
      %swap3A_874 = vector.shape_cast %swap3A_873 : vector<1x16xf32> to vector<16xf32>
      %swap3A_875 = vector.shape_cast %add3A_869 : vector<16xf32> to vector<1x16xf32>
      tpu.vector_store %arg8[%swap3A_871, %swap3A_872], %swap3A_875 {strides = array<i32>} : memref<8x1024xf32, #tpu.memory_space<vmem>>, vector<1x16xf32>,
      %get3A_876 = arith.constant 2 : i32
      %get3A_877 = arith.index_cast %get3A_876 : i32 to index
      %get3A_878 = arith.index_cast %mul3A_851 : i32 to index
      %get3A_879 = tpu.vector_load %arg8[%get3A_877, %get3A_878] {strides = array<i32>} : memref<8x1024xf32, #tpu.memory_space<vmem>>, vector<1x16xf32>,
      %get3A_880 = vector.shape_cast %get3A_879 : vector<1x16xf32> to vector<16xf32>
      %add3A_881 = arith.addf %get3A_880, %get3A_683 : vector<16xf32>
      %swap3A_882 = arith.constant 2 : i32
      %swap3A_883 = arith.index_cast %swap3A_882 : i32 to index
      %swap3A_884 = arith.index_cast %mul3A_851 : i32 to index
      %swap3A_885 = tpu.vector_load %arg8[%swap3A_883, %swap3A_884] {strides = array<i32>} : memref<8x1024xf32, #tpu.memory_space<vmem>>, vector<1x16xf32>,
      %swap3A_886 = vector.shape_cast %swap3A_885 : vector<1x16xf32> to vector<16xf32>
      %swap3A_887 = vector.shape_cast %add3A_881 : vector<16xf32> to vector<1x16xf32>
      tpu.vector_store %arg8[%swap3A_883, %swap3A_884], %swap3A_887 {strides = array<i32>} : memref<8x1024xf32, #tpu.memory_space<vmem>>, vector<1x16xf32>,
      %get3A_888 = arith.constant 3 : i32
      %get3A_889 = arith.index_cast %get3A_888 : i32 to index
      %get3A_890 = arith.index_cast %mul3A_851 : i32 to index
      %get3A_891 = tpu.vector_load %arg8[%get3A_889, %get3A_890] {strides = array<i32>} : memref<8x1024xf32, #tpu.memory_space<vmem>>, vector<1x16xf32>,
      %get3A_892 = vector.shape_cast %get3A_891 : vector<1x16xf32> to vector<16xf32>
      %add3A_893 = arith.addf %get3A_892, %get3A_688 : vector<16xf32>
      %swap3A_894 = arith.constant 3 : i32
      %swap3A_895 = arith.index_cast %swap3A_894 : i32 to index
      %swap3A_896 = arith.index_cast %mul3A_851 : i32 to index
      %swap3A_897 = tpu.vector_load %arg8[%swap3A_895, %swap3A_896] {strides = array<i32>} : memref<8x1024xf32, #tpu.memory_space<vmem>>, vector<1x16xf32>,
      %swap3A_898 = vector.shape_cast %swap3A_897 : vector<1x16xf32> to vector<16xf32>
      %swap3A_899 = vector.shape_cast %add3A_893 : vector<16xf32> to vector<1x16xf32>
      tpu.vector_store %arg8[%swap3A_895, %swap3A_896], %swap3A_899 {strides = array<i32>} : memref<8x1024xf32, #tpu.memory_space<vmem>>, vector<1x16xf32>,
      %get3A_900 = arith.constant 4 : i32
      %get3A_901 = arith.index_cast %get3A_900 : i32 to index
      %get3A_902 = arith.index_cast %mul3A_851 : i32 to index
      %get3A_903 = tpu.vector_load %arg8[%get3A_901, %get3A_902] {strides = array<i32>} : memref<8x1024xf32, #tpu.memory_space<vmem>>, vector<1x16xf32>,
      %get3A_904 = vector.shape_cast %get3A_903 : vector<1x16xf32> to vector<16xf32>
      %add3A_905 = arith.addf %get3A_904, %get3A_693 : vector<16xf32>
      %swap3A_906 = arith.constant 4 : i32
      %swap3A_907 = arith.index_cast %swap3A_906 : i32 to index
      %swap3A_908 = arith.index_cast %mul3A_851 : i32 to index
      %swap3A_909 = tpu.vector_load %arg8[%swap3A_907, %swap3A_908] {strides = array<i32>} : memref<8x1024xf32, #tpu.memory_space<vmem>>, vector<1x16xf32>,
      %swap3A_910 = vector.shape_cast %swap3A_909 : vector<1x16xf32> to vector<16xf32>
      %swap3A_911 = vector.shape_cast %add3A_905 : vector<16xf32> to vector<1x16xf32>
      tpu.vector_store %arg8[%swap3A_907, %swap3A_908], %swap3A_911 {strides = array<i32>} : memref<8x1024xf32, #tpu.memory_space<vmem>>, vector<1x16xf32>,
      %get3A_912 = arith.constant 5 : i32
      %get3A_913 = arith.index_cast %get3A_912 : i32 to index
      %get3A_914 = arith.index_cast %mul3A_851 : i32 to index
      %get3A_915 = tpu.vector_load %arg8[%get3A_913, %get3A_914] {strides = array<i32>} : memref<8x1024xf32, #tpu.memory_space<vmem>>, vector<1x16xf32>,
      %get3A_916 = vector.shape_cast %get3A_915 : vector<1x16xf32> to vector<16xf32>
      %add3A_917 = arith.addf %get3A_916, %get3A_698 : vector<16xf32>
      %swap3A_918 = arith.constant 5 : i32
      %swap3A_919 = arith.index_cast %swap3A_918 : i32 to index
      %swap3A_920 = arith.index_cast %mul3A_851 : i32 to index
      %swap3A_921 = tpu.vector_load %arg8[%swap3A_919, %swap3A_920] {strides = array<i32>} : memref<8x1024xf32, #tpu.memory_space<vmem>>, vector<1x16xf32>,
      %swap3A_922 = vector.shape_cast %swap3A_921 : vector<1x16xf32> to vector<16xf32>
      %swap3A_923 = vector.shape_cast %add3A_917 : vector<16xf32> to vector<1x16xf32>
      tpu.vector_store %arg8[%swap3A_919, %swap3A_920], %swap3A_923 {strides = array<i32>} : memref<8x1024xf32, #tpu.memory_space<vmem>>, vector<1x16xf32>,
      %get3A_924 = arith.constant 6 : i32
      %get3A_925 = arith.index_cast %get3A_924 : i32 to index
      %get3A_926 = arith.index_cast %mul3A_851 : i32 to index
      %get3A_927 = tpu.vector_load %arg8[%get3A_925, %get3A_926] {strides = array<i32>} : memref<8x1024xf32, #tpu.memory_space<vmem>>, vector<1x16xf32>,
      %get3A_928 = vector.shape_cast %get3A_927 : vector<1x16xf32> to vector<16xf32>
      %add3A_929 = arith.addf %get3A_928, %get3A_703 : vector<16xf32>
      %swap3A_930 = arith.constant 6 : i32
      %swap3A_931 = arith.index_cast %swap3A_930 : i32 to index
      %swap3A_932 = arith.index_cast %mul3A_851 : i32 to index
      %swap3A_933 = tpu.vector_load %arg8[%swap3A_931, %swap3A_932] {strides = array<i32>} : memref<8x1024xf32, #tpu.memory_space<vmem>>, vector<1x16xf32>,
      %swap3A_934 = vector.shape_cast %swap3A_933 : vector<1x16xf32> to vector<16xf32>
      %swap3A_935 = vector.shape_cast %add3A_929 : vector<16xf32> to vector<1x16xf32>
      tpu.vector_store %arg8[%swap3A_931, %swap3A_932], %swap3A_935 {strides = array<i32>} : memref<8x1024xf32, #tpu.memory_space<vmem>>, vector<1x16xf32>,
      %get3A_936 = arith.constant 7 : i32
      %get3A_937 = arith.index_cast %get3A_936 : i32 to index
      %get3A_938 = arith.index_cast %mul3A_851 : i32 to index
      %get3A_939 = tpu.vector_load %arg8[%get3A_937, %get3A_938] {strides = array<i32>} : memref<8x1024xf32, #tpu.memory_space<vmem>>, vector<1x16xf32>,
      %get3A_940 = vector.shape_cast %get3A_939 : vector<1x16xf32> to vector<16xf32>
      %add3A_941 = arith.addf %get3A_940, %get3A_708 : vector<16xf32>
      %swap3A_942 = arith.constant 7 : i32
      %swap3A_943 = arith.index_cast %swap3A_942 : i32 to index
      %swap3A_944 = arith.index_cast %mul3A_851 : i32 to index
      %swap3A_945 = tpu.vector_load %arg8[%swap3A_943, %swap3A_944] {strides = array<i32>} : memref<8x1024xf32, #tpu.memory_space<vmem>>, vector<1x16xf32>,
      %swap3A_946 = vector.shape_cast %swap3A_945 : vector<1x16xf32> to vector<16xf32>
      %swap3A_947 = vector.shape_cast %add3A_941 : vector<16xf32> to vector<1x16xf32>
      tpu.vector_store %arg8[%swap3A_943, %swap3A_944], %swap3A_947 {strides = array<i32>} : memref<8x1024xf32, #tpu.memory_space<vmem>>, vector<1x16xf32>,
    }
    %scan3A_714 = arith.constant 64 : i32
    %add3A_715 = arith.constant 24 : i32
    %add3A_716 = arith.addi %mul3A_2, %add3A_715 : i32
    %dma_start3A_717 = arith.constant 0 : i32
    %dma_start3A_718 = tpu.memref_slice %arg4[%add3A_716, %dma_start3A_717] : memref<1536x1024xf32, #tpu.memory_space<hbm>> -> memref<8x1024xf32, #tpu.memory_space<hbm>>
    %dma_start3A_719 = arith.constant 0 : i32
    %dma_start3A_720 = tpu.memref_slice %arg4[%add3A_716, %dma_start3A_719] : memref<1536x1024xf32, #tpu.memory_space<hbm>> -> memref<8x1024xf32, #tpu.memory_space<hbm>>
    tpu.enqueue_dma source(%arg8 : memref<8x1024xf32, #tpu.memory_space<vmem>>) target(%dma_start3A_720 : memref<8x1024xf32, #tpu.memory_space<hbm>>) target_semaphore(%arg18 : memref<!tpu.dma_semaphore, #tpu.memory_space<semaphore_mem>>)
    %dma_wait3A_721 = arith.constant 0 : i32
    %dma_wait3A_722 = tpu.memref_slice %arg2[%add3A_594, %dma_wait3A_721] : memref<1536x1024xf32, #tpu.memory_space<hbm>> -> memref<8x1024xf32, #tpu.memory_space<hbm>>
    %dma_wait3A_723 = arith.constant 0 : i32
    %dma_wait3A_724 = tpu.memref_slice %arg2[%add3A_594, %dma_wait3A_723] : memref<1536x1024xf32, #tpu.memory_space<hbm>> -> memref<8x1024xf32, #tpu.memory_space<hbm>>
    tpu.wait_dma2 semaphore(%arg11 : memref<!tpu.dma_semaphore, #tpu.memory_space<semaphore_mem>>) src(%dma_wait3A_724 : memref<8x1024xf32, #tpu.memory_space<hbm>>) dst(%arg5 : memref<8x1024xf32, #tpu.memory_space<vmem>>)
    %get3A_725 = arith.constant 32 : i32
    %get3A_726 = arith.index_cast %get3A_725 : i32 to index
    %get3A_727 = arith.constant 0 : index
    %get3A_728 = tpu.vector_load %arg10[%get3A_726, %get3A_727] {strides = array<i32>} : memref<48x16xf32, #tpu.memory_space<vmem>>, vector<1x16xf32>,
    %get3A_729 = vector.shape_cast %get3A_728 : vector<1x16xf32> to vector<16xf32>
    %get3A_730 = arith.constant 33 : i32
    %get3A_731 = arith.index_cast %get3A_730 : i32 to index
    %get3A_732 = arith.constant 0 : index
    %get3A_733 = tpu.vector_load %arg10[%get3A_731, %get3A_732] {strides = array<i32>} : memref<48x16xf32, #tpu.memory_space<vmem>>, vector<1x16xf32>,
    %get3A_734 = vector.shape_cast %get3A_733 : vector<1x16xf32> to vector<16xf32>
    %get3A_735 = arith.constant 34 : i32
    %get3A_736 = arith.index_cast %get3A_735 : i32 to index
    %get3A_737 = arith.constant 0 : index
    %get3A_738 = tpu.vector_load %arg10[%get3A_736, %get3A_737] {strides = array<i32>} : memref<48x16xf32, #tpu.memory_space<vmem>>, vector<1x16xf32>,
    %get3A_739 = vector.shape_cast %get3A_738 : vector<1x16xf32> to vector<16xf32>
    %get3A_740 = arith.constant 35 : i32
    %get3A_741 = arith.index_cast %get3A_740 : i32 to index
    %get3A_742 = arith.constant 0 : index
    %get3A_743 = tpu.vector_load %arg10[%get3A_741, %get3A_742] {strides = array<i32>} : memref<48x16xf32, #tpu.memory_space<vmem>>, vector<1x16xf32>,
    %get3A_744 = vector.shape_cast %get3A_743 : vector<1x16xf32> to vector<16xf32>
    %get3A_745 = arith.constant 36 : i32
    %get3A_746 = arith.index_cast %get3A_745 : i32 to index
    %get3A_747 = arith.constant 0 : index
    %get3A_748 = tpu.vector_load %arg10[%get3A_746, %get3A_747] {strides = array<i32>} : memref<48x16xf32, #tpu.memory_space<vmem>>, vector<1x16xf32>,
    %get3A_749 = vector.shape_cast %get3A_748 : vector<1x16xf32> to vector<16xf32>
    %get3A_750 = arith.constant 37 : i32
    %get3A_751 = arith.index_cast %get3A_750 : i32 to index
    %get3A_752 = arith.constant 0 : index
    %get3A_753 = tpu.vector_load %arg10[%get3A_751, %get3A_752] {strides = array<i32>} : memref<48x16xf32, #tpu.memory_space<vmem>>, vector<1x16xf32>,
    %get3A_754 = vector.shape_cast %get3A_753 : vector<1x16xf32> to vector<16xf32>
    %get3A_755 = arith.constant 38 : i32
    %get3A_756 = arith.index_cast %get3A_755 : i32 to index
    %get3A_757 = arith.constant 0 : index
    %get3A_758 = tpu.vector_load %arg10[%get3A_756, %get3A_757] {strides = array<i32>} : memref<48x16xf32, #tpu.memory_space<vmem>>, vector<1x16xf32>,
    %get3A_759 = vector.shape_cast %get3A_758 : vector<1x16xf32> to vector<16xf32>
    %get3A_760 = arith.constant 39 : i32
    %get3A_761 = arith.index_cast %get3A_760 : i32 to index
    %get3A_762 = arith.constant 0 : index
    %get3A_763 = tpu.vector_load %arg10[%get3A_761, %get3A_762] {strides = array<i32>} : memref<48x16xf32, #tpu.memory_space<vmem>>, vector<1x16xf32>,
    %get3A_764 = vector.shape_cast %get3A_763 : vector<1x16xf32> to vector<16xf32>
    %scan3A_765 = arith.constant 0 : i32
    %scan3A_766 = arith.constant 0 : i32
    %scan3A_767 = arith.constant 64 : i32
    %scan3A_768 = arith.addi %scan3A_766, %scan3A_767 : i32
    %scan3A_769 = arith.constant 1 : i32
    scf.for %scan3A_849 = %scan3A_766 to %scan3A_768 step %scan3A_769  : i32 {
      %mul3A_850 = arith.constant 16 : i32
      %mul3A_851 = arith.muli %scan3A_849, %mul3A_850 : i32
      %get3A_852 = arith.constant 0 : i32
      %get3A_853 = arith.index_cast %get3A_852 : i32 to index
      %get3A_854 = arith.index_cast %mul3A_851 : i32 to index
      %get3A_855 = tpu.vector_load %arg5[%get3A_853, %get3A_854] {strides = array<i32>} : memref<8x1024xf32, #tpu.memory_space<vmem>>, vector<1x16xf32>,
      %get3A_856 = vector.shape_cast %get3A_855 : vector<1x16xf32> to vector<16xf32>
      %add3A_857 = arith.addf %get3A_856, %get3A_729 : vector<16xf32>
      %swap3A_858 = arith.constant 0 : i32
      %swap3A_859 = arith.index_cast %swap3A_858 : i32 to index
      %swap3A_860 = arith.index_cast %mul3A_851 : i32 to index
      %swap3A_861 = tpu.vector_load %arg5[%swap3A_859, %swap3A_860] {strides = array<i32>} : memref<8x1024xf32, #tpu.memory_space<vmem>>, vector<1x16xf32>,
      %swap3A_862 = vector.shape_cast %swap3A_861 : vector<1x16xf32> to vector<16xf32>
      %swap3A_863 = vector.shape_cast %add3A_857 : vector<16xf32> to vector<1x16xf32>
      tpu.vector_store %arg5[%swap3A_859, %swap3A_860], %swap3A_863 {strides = array<i32>} : memref<8x1024xf32, #tpu.memory_space<vmem>>, vector<1x16xf32>,
      %get3A_864 = arith.constant 1 : i32
      %get3A_865 = arith.index_cast %get3A_864 : i32 to index
      %get3A_866 = arith.index_cast %mul3A_851 : i32 to index
      %get3A_867 = tpu.vector_load %arg5[%get3A_865, %get3A_866] {strides = array<i32>} : memref<8x1024xf32, #tpu.memory_space<vmem>>, vector<1x16xf32>,
      %get3A_868 = vector.shape_cast %get3A_867 : vector<1x16xf32> to vector<16xf32>
      %add3A_869 = arith.addf %get3A_868, %get3A_734 : vector<16xf32>
      %swap3A_870 = arith.constant 1 : i32
      %swap3A_871 = arith.index_cast %swap3A_870 : i32 to index
      %swap3A_872 = arith.index_cast %mul3A_851 : i32 to index
      %swap3A_873 = tpu.vector_load %arg5[%swap3A_871, %swap3A_872] {strides = array<i32>} : memref<8x1024xf32, #tpu.memory_space<vmem>>, vector<1x16xf32>,
      %swap3A_874 = vector.shape_cast %swap3A_873 : vector<1x16xf32> to vector<16xf32>
      %swap3A_875 = vector.shape_cast %add3A_869 : vector<16xf32> to vector<1x16xf32>
      tpu.vector_store %arg5[%swap3A_871, %swap3A_872], %swap3A_875 {strides = array<i32>} : memref<8x1024xf32, #tpu.memory_space<vmem>>, vector<1x16xf32>,
      %get3A_876 = arith.constant 2 : i32
      %get3A_877 = arith.index_cast %get3A_876 : i32 to index
      %get3A_878 = arith.index_cast %mul3A_851 : i32 to index
      %get3A_879 = tpu.vector_load %arg5[%get3A_877, %get3A_878] {strides = array<i32>} : memref<8x1024xf32, #tpu.memory_space<vmem>>, vector<1x16xf32>,
      %get3A_880 = vector.shape_cast %get3A_879 : vector<1x16xf32> to vector<16xf32>
      %add3A_881 = arith.addf %get3A_880, %get3A_739 : vector<16xf32>
      %swap3A_882 = arith.constant 2 : i32
      %swap3A_883 = arith.index_cast %swap3A_882 : i32 to index
      %swap3A_884 = arith.index_cast %mul3A_851 : i32 to index
      %swap3A_885 = tpu.vector_load %arg5[%swap3A_883, %swap3A_884] {strides = array<i32>} : memref<8x1024xf32, #tpu.memory_space<vmem>>, vector<1x16xf32>,
      %swap3A_886 = vector.shape_cast %swap3A_885 : vector<1x16xf32> to vector<16xf32>
      %swap3A_887 = vector.shape_cast %add3A_881 : vector<16xf32> to vector<1x16xf32>
      tpu.vector_store %arg5[%swap3A_883, %swap3A_884], %swap3A_887 {strides = array<i32>} : memref<8x1024xf32, #tpu.memory_space<vmem>>, vector<1x16xf32>,
      %get3A_888 = arith.constant 3 : i32
      %get3A_889 = arith.index_cast %get3A_888 : i32 to index
      %get3A_890 = arith.index_cast %mul3A_851 : i32 to index
      %get3A_891 = tpu.vector_load %arg5[%get3A_889, %get3A_890] {strides = array<i32>} : memref<8x1024xf32, #tpu.memory_space<vmem>>, vector<1x16xf32>,
      %get3A_892 = vector.shape_cast %get3A_891 : vector<1x16xf32> to vector<16xf32>
      %add3A_893 = arith.addf %get3A_892, %get3A_744 : vector<16xf32>
      %swap3A_894 = arith.constant 3 : i32
      %swap3A_895 = arith.index_cast %swap3A_894 : i32 to index
      %swap3A_896 = arith.index_cast %mul3A_851 : i32 to index
      %swap3A_897 = tpu.vector_load %arg5[%swap3A_895, %swap3A_896] {strides = array<i32>} : memref<8x1024xf32, #tpu.memory_space<vmem>>, vector<1x16xf32>,
      %swap3A_898 = vector.shape_cast %swap3A_897 : vector<1x16xf32> to vector<16xf32>
      %swap3A_899 = vector.shape_cast %add3A_893 : vector<16xf32> to vector<1x16xf32>
      tpu.vector_store %arg5[%swap3A_895, %swap3A_896], %swap3A_899 {strides = array<i32>} : memref<8x1024xf32, #tpu.memory_space<vmem>>, vector<1x16xf32>,
      %get3A_900 = arith.constant 4 : i32
      %get3A_901 = arith.index_cast %get3A_900 : i32 to index
      %get3A_902 = arith.index_cast %mul3A_851 : i32 to index
      %get3A_903 = tpu.vector_load %arg5[%get3A_901, %get3A_902] {strides = array<i32>} : memref<8x1024xf32, #tpu.memory_space<vmem>>, vector<1x16xf32>,
      %get3A_904 = vector.shape_cast %get3A_903 : vector<1x16xf32> to vector<16xf32>
      %add3A_905 = arith.addf %get3A_904, %get3A_749 : vector<16xf32>
      %swap3A_906 = arith.constant 4 : i32
      %swap3A_907 = arith.index_cast %swap3A_906 : i32 to index
      %swap3A_908 = arith.index_cast %mul3A_851 : i32 to index
      %swap3A_909 = tpu.vector_load %arg5[%swap3A_907, %swap3A_908] {strides = array<i32>} : memref<8x1024xf32, #tpu.memory_space<vmem>>, vector<1x16xf32>,
      %swap3A_910 = vector.shape_cast %swap3A_909 : vector<1x16xf32> to vector<16xf32>
      %swap3A_911 = vector.shape_cast %add3A_905 : vector<16xf32> to vector<1x16xf32>
      tpu.vector_store %arg5[%swap3A_907, %swap3A_908], %swap3A_911 {strides = array<i32>} : memref<8x1024xf32, #tpu.memory_space<vmem>>, vector<1x16xf32>,
      %get3A_912 = arith.constant 5 : i32
      %get3A_913 = arith.index_cast %get3A_912 : i32 to index
      %get3A_914 = arith.index_cast %mul3A_851 : i32 to index
      %get3A_915 = tpu.vector_load %arg5[%get3A_913, %get3A_914] {strides = array<i32>} : memref<8x1024xf32, #tpu.memory_space<vmem>>, vector<1x16xf32>,
      %get3A_916 = vector.shape_cast %get3A_915 : vector<1x16xf32> to vector<16xf32>
      %add3A_917 = arith.addf %get3A_916, %get3A_754 : vector<16xf32>
      %swap3A_918 = arith.constant 5 : i32
      %swap3A_919 = arith.index_cast %swap3A_918 : i32 to index
      %swap3A_920 = arith.index_cast %mul3A_851 : i32 to index
      %swap3A_921 = tpu.vector_load %arg5[%swap3A_919, %swap3A_920] {strides = array<i32>} : memref<8x1024xf32, #tpu.memory_space<vmem>>, vector<1x16xf32>,
      %swap3A_922 = vector.shape_cast %swap3A_921 : vector<1x16xf32> to vector<16xf32>
      %swap3A_923 = vector.shape_cast %add3A_917 : vector<16xf32> to vector<1x16xf32>
      tpu.vector_store %arg5[%swap3A_919, %swap3A_920], %swap3A_923 {strides = array<i32>} : memref<8x1024xf32, #tpu.memory_space<vmem>>, vector<1x16xf32>,
      %get3A_924 = arith.constant 6 : i32
      %get3A_925 = arith.index_cast %get3A_924 : i32 to index
      %get3A_926 = arith.index_cast %mul3A_851 : i32 to index
      %get3A_927 = tpu.vector_load %arg5[%get3A_925, %get3A_926] {strides = array<i32>} : memref<8x1024xf32, #tpu.memory_space<vmem>>, vector<1x16xf32>,
      %get3A_928 = vector.shape_cast %get3A_927 : vector<1x16xf32> to vector<16xf32>
      %add3A_929 = arith.addf %get3A_928, %get3A_759 : vector<16xf32>
      %swap3A_930 = arith.constant 6 : i32
      %swap3A_931 = arith.index_cast %swap3A_930 : i32 to index
      %swap3A_932 = arith.index_cast %mul3A_851 : i32 to index
      %swap3A_933 = tpu.vector_load %arg5[%swap3A_931, %swap3A_932] {strides = array<i32>} : memref<8x1024xf32, #tpu.memory_space<vmem>>, vector<1x16xf32>,
      %swap3A_934 = vector.shape_cast %swap3A_933 : vector<1x16xf32> to vector<16xf32>
      %swap3A_935 = vector.shape_cast %add3A_929 : vector<16xf32> to vector<1x16xf32>
      tpu.vector_store %arg5[%swap3A_931, %swap3A_932], %swap3A_935 {strides = array<i32>} : memref<8x1024xf32, #tpu.memory_space<vmem>>, vector<1x16xf32>,
      %get3A_936 = arith.constant 7 : i32
      %get3A_937 = arith.index_cast %get3A_936 : i32 to index
      %get3A_938 = arith.index_cast %mul3A_851 : i32 to index
      %get3A_939 = tpu.vector_load %arg5[%get3A_937, %get3A_938] {strides = array<i32>} : memref<8x1024xf32, #tpu.memory_space<vmem>>, vector<1x16xf32>,
      %get3A_940 = vector.shape_cast %get3A_939 : vector<1x16xf32> to vector<16xf32>
      %add3A_941 = arith.addf %get3A_940, %get3A_764 : vector<16xf32>
      %swap3A_942 = arith.constant 7 : i32
      %swap3A_943 = arith.index_cast %swap3A_942 : i32 to index
      %swap3A_944 = arith.index_cast %mul3A_851 : i32 to index
      %swap3A_945 = tpu.vector_load %arg5[%swap3A_943, %swap3A_944] {strides = array<i32>} : memref<8x1024xf32, #tpu.memory_space<vmem>>, vector<1x16xf32>,
      %swap3A_946 = vector.shape_cast %swap3A_945 : vector<1x16xf32> to vector<16xf32>
      %swap3A_947 = vector.shape_cast %add3A_941 : vector<16xf32> to vector<1x16xf32>
      tpu.vector_store %arg5[%swap3A_943, %swap3A_944], %swap3A_947 {strides = array<i32>} : memref<8x1024xf32, #tpu.memory_space<vmem>>, vector<1x16xf32>,
    }
    %scan3A_770 = arith.constant 64 : i32
    %add3A_771 = arith.constant 32 : i32
    %add3A_772 = arith.addi %mul3A_2, %add3A_771 : i32
    %dma_start3A_773 = arith.constant 0 : i32
    %dma_start3A_774 = tpu.memref_slice %arg4[%add3A_772, %dma_start3A_773] : memref<1536x1024xf32, #tpu.memory_space<hbm>> -> memref<8x1024xf32, #tpu.memory_space<hbm>>
    %dma_start3A_775 = arith.constant 0 : i32
    %dma_start3A_776 = tpu.memref_slice %arg4[%add3A_772, %dma_start3A_775] : memref<1536x1024xf32, #tpu.memory_space<hbm>> -> memref<8x1024xf32, #tpu.memory_space<hbm>>
    tpu.enqueue_dma source(%arg5 : memref<8x1024xf32, #tpu.memory_space<vmem>>) target(%dma_start3A_776 : memref<8x1024xf32, #tpu.memory_space<hbm>>) target_semaphore(%arg15 : memref<!tpu.dma_semaphore, #tpu.memory_space<semaphore_mem>>)
    %dma_wait3A_777 = arith.constant 0 : i32
    %dma_wait3A_778 = tpu.memref_slice %arg2[%add3A_660, %dma_wait3A_777] : memref<1536x1024xf32, #tpu.memory_space<hbm>> -> memref<8x1024xf32, #tpu.memory_space<hbm>>
    %dma_wait3A_779 = arith.constant 0 : i32
    %dma_wait3A_780 = tpu.memref_slice %arg2[%add3A_660, %dma_wait3A_779] : memref<1536x1024xf32, #tpu.memory_space<hbm>> -> memref<8x1024xf32, #tpu.memory_space<hbm>>
    tpu.wait_dma2 semaphore(%arg12 : memref<!tpu.dma_semaphore, #tpu.memory_space<semaphore_mem>>) src(%dma_wait3A_780 : memref<8x1024xf32, #tpu.memory_space<hbm>>) dst(%arg6 : memref<8x1024xf32, #tpu.memory_space<vmem>>)
    %get3A_781 = arith.constant 40 : i32
    %get3A_782 = arith.index_cast %get3A_781 : i32 to index
    %get3A_783 = arith.constant 0 : index
    %get3A_784 = tpu.vector_load %arg10[%get3A_782, %get3A_783] {strides = array<i32>} : memref<48x16xf32, #tpu.memory_space<vmem>>, vector<1x16xf32>,
    %get3A_785 = vector.shape_cast %get3A_784 : vector<1x16xf32> to vector<16xf32>
    %get3A_786 = arith.constant 41 : i32
    %get3A_787 = arith.index_cast %get3A_786 : i32 to index
    %get3A_788 = arith.constant 0 : index
    %get3A_789 = tpu.vector_load %arg10[%get3A_787, %get3A_788] {strides = array<i32>} : memref<48x16xf32, #tpu.memory_space<vmem>>, vector<1x16xf32>,
    %get3A_790 = vector.shape_cast %get3A_789 : vector<1x16xf32> to vector<16xf32>
    %get3A_791 = arith.constant 42 : i32
    %get3A_792 = arith.index_cast %get3A_791 : i32 to index
    %get3A_793 = arith.constant 0 : index
    %get3A_794 = tpu.vector_load %arg10[%get3A_792, %get3A_793] {strides = array<i32>} : memref<48x16xf32, #tpu.memory_space<vmem>>, vector<1x16xf32>,
    %get3A_795 = vector.shape_cast %get3A_794 : vector<1x16xf32> to vector<16xf32>
    %get3A_796 = arith.constant 43 : i32
    %get3A_797 = arith.index_cast %get3A_796 : i32 to index
    %get3A_798 = arith.constant 0 : index
    %get3A_799 = tpu.vector_load %arg10[%get3A_797, %get3A_798] {strides = array<i32>} : memref<48x16xf32, #tpu.memory_space<vmem>>, vector<1x16xf32>,
    %get3A_800 = vector.shape_cast %get3A_799 : vector<1x16xf32> to vector<16xf32>
    %get3A_801 = arith.constant 44 : i32
    %get3A_802 = arith.index_cast %get3A_801 : i32 to index
    %get3A_803 = arith.constant 0 : index
    %get3A_804 = tpu.vector_load %arg10[%get3A_802, %get3A_803] {strides = array<i32>} : memref<48x16xf32, #tpu.memory_space<vmem>>, vector<1x16xf32>,
    %get3A_805 = vector.shape_cast %get3A_804 : vector<1x16xf32> to vector<16xf32>
    %get3A_806 = arith.constant 45 : i32
    %get3A_807 = arith.index_cast %get3A_806 : i32 to index
    %get3A_808 = arith.constant 0 : index
    %get3A_809 = tpu.vector_load %arg10[%get3A_807, %get3A_808] {strides = array<i32>} : memref<48x16xf32, #tpu.memory_space<vmem>>, vector<1x16xf32>,
    %get3A_810 = vector.shape_cast %get3A_809 : vector<1x16xf32> to vector<16xf32>
    %get3A_811 = arith.constant 46 : i32
    %get3A_812 = arith.index_cast %get3A_811 : i32 to index
    %get3A_813 = arith.constant 0 : index
    %get3A_814 = tpu.vector_load %arg10[%get3A_812, %get3A_813] {strides = array<i32>} : memref<48x16xf32, #tpu.memory_space<vmem>>, vector<1x16xf32>,
    %get3A_815 = vector.shape_cast %get3A_814 : vector<1x16xf32> to vector<16xf32>
    %get3A_816 = arith.constant 47 : i32
    %get3A_817 = arith.index_cast %get3A_816 : i32 to index
    %get3A_818 = arith.constant 0 : index
    %get3A_819 = tpu.vector_load %arg10[%get3A_817, %get3A_818] {strides = array<i32>} : memref<48x16xf32, #tpu.memory_space<vmem>>, vector<1x16xf32>,
    %get3A_820 = vector.shape_cast %get3A_819 : vector<1x16xf32> to vector<16xf32>
    %scan3A_821 = arith.constant 0 : i32
    %scan3A_822 = arith.constant 0 : i32
    %scan3A_823 = arith.constant 64 : i32
    %scan3A_824 = arith.addi %scan3A_822, %scan3A_823 : i32
    %scan3A_825 = arith.constant 1 : i32
    scf.for %scan3A_849 = %scan3A_822 to %scan3A_824 step %scan3A_825  : i32 {
      %mul3A_850 = arith.constant 16 : i32
      %mul3A_851 = arith.muli %scan3A_849, %mul3A_850 : i32
      %get3A_852 = arith.constant 0 : i32
      %get3A_853 = arith.index_cast %get3A_852 : i32 to index
      %get3A_854 = arith.index_cast %mul3A_851 : i32 to index
      %get3A_855 = tpu.vector_load %arg6[%get3A_853, %get3A_854] {strides = array<i32>} : memref<8x1024xf32, #tpu.memory_space<vmem>>, vector<1x16xf32>,
      %get3A_856 = vector.shape_cast %get3A_855 : vector<1x16xf32> to vector<16xf32>
      %add3A_857 = arith.addf %get3A_856, %get3A_785 : vector<16xf32>
      %swap3A_858 = arith.constant 0 : i32
      %swap3A_859 = arith.index_cast %swap3A_858 : i32 to index
      %swap3A_860 = arith.index_cast %mul3A_851 : i32 to index
      %swap3A_861 = tpu.vector_load %arg6[%swap3A_859, %swap3A_860] {strides = array<i32>} : memref<8x1024xf32, #tpu.memory_space<vmem>>, vector<1x16xf32>,
      %swap3A_862 = vector.shape_cast %swap3A_861 : vector<1x16xf32> to vector<16xf32>
      %swap3A_863 = vector.shape_cast %add3A_857 : vector<16xf32> to vector<1x16xf32>
      tpu.vector_store %arg6[%swap3A_859, %swap3A_860], %swap3A_863 {strides = array<i32>} : memref<8x1024xf32, #tpu.memory_space<vmem>>, vector<1x16xf32>,
      %get3A_864 = arith.constant 1 : i32
      %get3A_865 = arith.index_cast %get3A_864 : i32 to index
      %get3A_866 = arith.index_cast %mul3A_851 : i32 to index
      %get3A_867 = tpu.vector_load %arg6[%get3A_865, %get3A_866] {strides = array<i32>} : memref<8x1024xf32, #tpu.memory_space<vmem>>, vector<1x16xf32>,
      %get3A_868 = vector.shape_cast %get3A_867 : vector<1x16xf32> to vector<16xf32>
      %add3A_869 = arith.addf %get3A_868, %get3A_790 : vector<16xf32>
      %swap3A_870 = arith.constant 1 : i32
      %swap3A_871 = arith.index_cast %swap3A_870 : i32 to index
      %swap3A_872 = arith.index_cast %mul3A_851 : i32 to index
      %swap3A_873 = tpu.vector_load %arg6[%swap3A_871, %swap3A_872] {strides = array<i32>} : memref<8x1024xf32, #tpu.memory_space<vmem>>, vector<1x16xf32>,
      %swap3A_874 = vector.shape_cast %swap3A_873 : vector<1x16xf32> to vector<16xf32>
      %swap3A_875 = vector.shape_cast %add3A_869 : vector<16xf32> to vector<1x16xf32>
      tpu.vector_store %arg6[%swap3A_871, %swap3A_872], %swap3A_875 {strides = array<i32>} : memref<8x1024xf32, #tpu.memory_space<vmem>>, vector<1x16xf32>,
      %get3A_876 = arith.constant 2 : i32
      %get3A_877 = arith.index_cast %get3A_876 : i32 to index
      %get3A_878 = arith.index_cast %mul3A_851 : i32 to index
      %get3A_879 = tpu.vector_load %arg6[%get3A_877, %get3A_878] {strides = array<i32>} : memref<8x1024xf32, #tpu.memory_space<vmem>>, vector<1x16xf32>,
      %get3A_880 = vector.shape_cast %get3A_879 : vector<1x16xf32> to vector<16xf32>
      %add3A_881 = arith.addf %get3A_880, %get3A_795 : vector<16xf32>
      %swap3A_882 = arith.constant 2 : i32
      %swap3A_883 = arith.index_cast %swap3A_882 : i32 to index
      %swap3A_884 = arith.index_cast %mul3A_851 : i32 to index
      %swap3A_885 = tpu.vector_load %arg6[%swap3A_883, %swap3A_884] {strides = array<i32>} : memref<8x1024xf32, #tpu.memory_space<vmem>>, vector<1x16xf32>,
      %swap3A_886 = vector.shape_cast %swap3A_885 : vector<1x16xf32> to vector<16xf32>
      %swap3A_887 = vector.shape_cast %add3A_881 : vector<16xf32> to vector<1x16xf32>
      tpu.vector_store %arg6[%swap3A_883, %swap3A_884], %swap3A_887 {strides = array<i32>} : memref<8x1024xf32, #tpu.memory_space<vmem>>, vector<1x16xf32>,
      %get3A_888 = arith.constant 3 : i32
      %get3A_889 = arith.index_cast %get3A_888 : i32 to index
      %get3A_890 = arith.index_cast %mul3A_851 : i32 to index
      %get3A_891 = tpu.vector_load %arg6[%get3A_889, %get3A_890] {strides = array<i32>} : memref<8x1024xf32, #tpu.memory_space<vmem>>, vector<1x16xf32>,
      %get3A_892 = vector.shape_cast %get3A_891 : vector<1x16xf32> to vector<16xf32>
      %add3A_893 = arith.addf %get3A_892, %get3A_800 : vector<16xf32>
      %swap3A_894 = arith.constant 3 : i32
      %swap3A_895 = arith.index_cast %swap3A_894 : i32 to index
      %swap3A_896 = arith.index_cast %mul3A_851 : i32 to index
      %swap3A_897 = tpu.vector_load %arg6[%swap3A_895, %swap3A_896] {strides = array<i32>} : memref<8x1024xf32, #tpu.memory_space<vmem>>, vector<1x16xf32>,
      %swap3A_898 = vector.shape_cast %swap3A_897 : vector<1x16xf32> to vector<16xf32>
      %swap3A_899 = vector.shape_cast %add3A_893 : vector<16xf32> to vector<1x16xf32>
      tpu.vector_store %arg6[%swap3A_895, %swap3A_896], %swap3A_899 {strides = array<i32>} : memref<8x1024xf32, #tpu.memory_space<vmem>>, vector<1x16xf32>,
      %get3A_900 = arith.constant 4 : i32
      %get3A_901 = arith.index_cast %get3A_900 : i32 to index
      %get3A_902 = arith.index_cast %mul3A_851 : i32 to index
      %get3A_903 = tpu.vector_load %arg6[%get3A_901, %get3A_902] {strides = array<i32>} : memref<8x1024xf32, #tpu.memory_space<vmem>>, vector<1x16xf32>,
      %get3A_904 = vector.shape_cast %get3A_903 : vector<1x16xf32> to vector<16xf32>
      %add3A_905 = arith.addf %get3A_904, %get3A_805 : vector<16xf32>
      %swap3A_906 = arith.constant 4 : i32
      %swap3A_907 = arith.index_cast %swap3A_906 : i32 to index
      %swap3A_908 = arith.index_cast %mul3A_851 : i32 to index
      %swap3A_909 = tpu.vector_load %arg6[%swap3A_907, %swap3A_908] {strides = array<i32>} : memref<8x1024xf32, #tpu.memory_space<vmem>>, vector<1x16xf32>,
      %swap3A_910 = vector.shape_cast %swap3A_909 : vector<1x16xf32> to vector<16xf32>
      %swap3A_911 = vector.shape_cast %add3A_905 : vector<16xf32> to vector<1x16xf32>
      tpu.vector_store %arg6[%swap3A_907, %swap3A_908], %swap3A_911 {strides = array<i32>} : memref<8x1024xf32, #tpu.memory_space<vmem>>, vector<1x16xf32>,
      %get3A_912 = arith.constant 5 : i32
      %get3A_913 = arith.index_cast %get3A_912 : i32 to index
      %get3A_914 = arith.index_cast %mul3A_851 : i32 to index
      %get3A_915 = tpu.vector_load %arg6[%get3A_913, %get3A_914] {strides = array<i32>} : memref<8x1024xf32, #tpu.memory_space<vmem>>, vector<1x16xf32>,
      %get3A_916 = vector.shape_cast %get3A_915 : vector<1x16xf32> to vector<16xf32>
      %add3A_917 = arith.addf %get3A_916, %get3A_810 : vector<16xf32>
      %swap3A_918 = arith.constant 5 : i32
      %swap3A_919 = arith.index_cast %swap3A_918 : i32 to index
      %swap3A_920 = arith.index_cast %mul3A_851 : i32 to index
      %swap3A_921 = tpu.vector_load %arg6[%swap3A_919, %swap3A_920] {strides = array<i32>} : memref<8x1024xf32, #tpu.memory_space<vmem>>, vector<1x16xf32>,
      %swap3A_922 = vector.shape_cast %swap3A_921 : vector<1x16xf32> to vector<16xf32>
      %swap3A_923 = vector.shape_cast %add3A_917 : vector<16xf32> to vector<1x16xf32>
      tpu.vector_store %arg6[%swap3A_919, %swap3A_920], %swap3A_923 {strides = array<i32>} : memref<8x1024xf32, #tpu.memory_space<vmem>>, vector<1x16xf32>,
      %get3A_924 = arith.constant 6 : i32
      %get3A_925 = arith.index_cast %get3A_924 : i32 to index
      %get3A_926 = arith.index_cast %mul3A_851 : i32 to index
      %get3A_927 = tpu.vector_load %arg6[%get3A_925, %get3A_926] {strides = array<i32>} : memref<8x1024xf32, #tpu.memory_space<vmem>>, vector<1x16xf32>,
      %get3A_928 = vector.shape_cast %get3A_927 : vector<1x16xf32> to vector<16xf32>
      %add3A_929 = arith.addf %get3A_928, %get3A_815 : vector<16xf32>
      %swap3A_930 = arith.constant 6 : i32
      %swap3A_931 = arith.index_cast %swap3A_930 : i32 to index
      %swap3A_932 = arith.index_cast %mul3A_851 : i32 to index
      %swap3A_933 = tpu.vector_load %arg6[%swap3A_931, %swap3A_932] {strides = array<i32>} : memref<8x1024xf32, #tpu.memory_space<vmem>>, vector<1x16xf32>,
      %swap3A_934 = vector.shape_cast %swap3A_933 : vector<1x16xf32> to vector<16xf32>
      %swap3A_935 = vector.shape_cast %add3A_929 : vector<16xf32> to vector<1x16xf32>
      tpu.vector_store %arg6[%swap3A_931, %swap3A_932], %swap3A_935 {strides = array<i32>} : memref<8x1024xf32, #tpu.memory_space<vmem>>, vector<1x16xf32>,
      %get3A_936 = arith.constant 7 : i32
      %get3A_937 = arith.index_cast %get3A_936 : i32 to index
      %get3A_938 = arith.index_cast %mul3A_851 : i32 to index
      %get3A_939 = tpu.vector_load %arg6[%get3A_937, %get3A_938] {strides = array<i32>} : memref<8x1024xf32, #tpu.memory_space<vmem>>, vector<1x16xf32>,
      %get3A_940 = vector.shape_cast %get3A_939 : vector<1x16xf32> to vector<16xf32>
      %add3A_941 = arith.addf %get3A_940, %get3A_820 : vector<16xf32>
      %swap3A_942 = arith.constant 7 : i32
      %swap3A_943 = arith.index_cast %swap3A_942 : i32 to index
      %swap3A_944 = arith.index_cast %mul3A_851 : i32 to index
      %swap3A_945 = tpu.vector_load %arg6[%swap3A_943, %swap3A_944] {strides = array<i32>} : memref<8x1024xf32, #tpu.memory_space<vmem>>, vector<1x16xf32>,
      %swap3A_946 = vector.shape_cast %swap3A_945 : vector<1x16xf32> to vector<16xf32>
      %swap3A_947 = vector.shape_cast %add3A_941 : vector<16xf32> to vector<1x16xf32>
      tpu.vector_store %arg6[%swap3A_943, %swap3A_944], %swap3A_947 {strides = array<i32>} : memref<8x1024xf32, #tpu.memory_space<vmem>>, vector<1x16xf32>,
    }
    %scan3A_826 = arith.constant 64 : i32
    %add3A_827 = arith.constant 40 : i32
    %add3A_828 = arith.addi %mul3A_2, %add3A_827 : i32
    %dma_start3A_829 = arith.constant 0 : i32
    %dma_start3A_830 = tpu.memref_slice %arg4[%add3A_828, %dma_start3A_829] : memref<1536x1024xf32, #tpu.memory_space<hbm>> -> memref<8x1024xf32, #tpu.memory_space<hbm>>
    %dma_start3A_831 = arith.constant 0 : i32
    %dma_start3A_832 = tpu.memref_slice %arg4[%add3A_828, %dma_start3A_831] : memref<1536x1024xf32, #tpu.memory_space<hbm>> -> memref<8x1024xf32, #tpu.memory_space<hbm>>
    tpu.enqueue_dma source(%arg6 : memref<8x1024xf32, #tpu.memory_space<vmem>>) target(%dma_start3A_832 : memref<8x1024xf32, #tpu.memory_space<hbm>>) target_semaphore(%arg16 : memref<!tpu.dma_semaphore, #tpu.memory_space<semaphore_mem>>)
    %dma_wait3A_833 = arith.constant 0 : i32
    %dma_wait3A_834 = tpu.memref_slice %arg4[%add3A_650, %dma_wait3A_833] : memref<1536x1024xf32, #tpu.memory_space<hbm>> -> memref<8x1024xf32, #tpu.memory_space<hbm>>
    %dma_wait3A_835 = arith.constant 0 : i32
    %dma_wait3A_836 = tpu.memref_slice %arg4[%add3A_650, %dma_wait3A_835] : memref<1536x1024xf32, #tpu.memory_space<hbm>> -> memref<8x1024xf32, #tpu.memory_space<hbm>>
    tpu.wait_dma2 semaphore(%arg17 : memref<!tpu.dma_semaphore, #tpu.memory_space<semaphore_mem>>) src(%arg7 : memref<8x1024xf32, #tpu.memory_space<vmem>>) dst(%dma_wait3A_836 : memref<8x1024xf32, #tpu.memory_space<hbm>>)
    %dma_wait3A_837 = arith.constant 0 : i32
    %dma_wait3A_838 = tpu.memref_slice %arg4[%add3A_716, %dma_wait3A_837] : memref<1536x1024xf32, #tpu.memory_space<hbm>> -> memref<8x1024xf32, #tpu.memory_space<hbm>>
    %dma_wait3A_839 = arith.constant 0 : i32
    %dma_wait3A_840 = tpu.memref_slice %arg4[%add3A_716, %dma_wait3A_839] : memref<1536x1024xf32, #tpu.memory_space<hbm>> -> memref<8x1024xf32, #tpu.memory_space<hbm>>
    tpu.wait_dma2 semaphore(%arg18 : memref<!tpu.dma_semaphore, #tpu.memory_space<semaphore_mem>>) src(%arg8 : memref<8x1024xf32, #tpu.memory_space<vmem>>) dst(%dma_wait3A_840 : memref<8x1024xf32, #tpu.memory_space<hbm>>)
    %dma_wait3A_841 = arith.constant 0 : i32
    %dma_wait3A_842 = tpu.memref_slice %arg4[%add3A_772, %dma_wait3A_841] : memref<1536x1024xf32, #tpu.memory_space<hbm>> -> memref<8x1024xf32, #tpu.memory_space<hbm>>
    %dma_wait3A_843 = arith.constant 0 : i32
    %dma_wait3A_844 = tpu.memref_slice %arg4[%add3A_772, %dma_wait3A_843] : memref<1536x1024xf32, #tpu.memory_space<hbm>> -> memref<8x1024xf32, #tpu.memory_space<hbm>>
    tpu.wait_dma2 semaphore(%arg15 : memref<!tpu.dma_semaphore, #tpu.memory_space<semaphore_mem>>) src(%arg5 : memref<8x1024xf32, #tpu.memory_space<vmem>>) dst(%dma_wait3A_844 : memref<8x1024xf32, #tpu.memory_space<hbm>>)
    %dma_wait3A_845 = arith.constant 0 : i32
    %dma_wait3A_846 = tpu.memref_slice %arg4[%add3A_828, %dma_wait3A_845] : memref<1536x1024xf32, #tpu.memory_space<hbm>> -> memref<8x1024xf32, #tpu.memory_space<hbm>>
    %dma_wait3A_847 = arith.constant 0 : i32
    %dma_wait3A_848 = tpu.memref_slice %arg4[%add3A_828, %dma_wait3A_847] : memref<1536x1024xf32, #tpu.memory_space<hbm>> -> memref<8x1024xf32, #tpu.memory_space<hbm>>
    tpu.wait_dma2 semaphore(%arg16 : memref<!tpu.dma_semaphore, #tpu.memory_space<semaphore_mem>>) src(%arg6 : memref<8x1024xf32, #tpu.memory_space<vmem>>) dst(%dma_wait3A_848 : memref<8x1024xf32, #tpu.memory_space<hbm>>)
    return
  }
}

</mosaic_0001>

<sc_bundles>
// kernel: kernel.3.cloned.1.call-start
scs
__scs_entry_jumppad:
0x0: {  	(pc) =	sbr.rel $0x88, $3  }
0x1: {  	(tag) =	ssettag $0x0;
	lr =	simm.s32 $0x1  }
0x2: {  	[smem:$0x3F9F] =	sst lr;
	_ =	strace $0xD0000000  }
0x3: {  	_ = 	snop  }
0x4: {  	_ = 	snop  }
0x5: {  	_ = 	snop  }
0x6: {  	_ = 	snop  }
0x7: {  	_ = 	snop  }
__scs_overlays_trampoline_lowered:
0x8: {  	[smem:$0x3FAE] =	sst s0  }
0x9: {  	[smem:$0x3FAF] =	sst s1  }
0xa: {  	[smem:$0x3FB0] =	sst s2  }
0xb: {  	[smem:$0x3FB1] =	sst s3  }
0xc: {  	[smem:$0x3FB2] =	sst s4  }
0xd: {  	[smem:$0x3FB3] =	sst s5  }
0xe: {  	[smem:$0x3FB4] =	sst s6  }
0xf: {  	[smem:$0x3FB5] =	sst s7  }
0x10: {  	[smem:$0x3FB6] =	sst s8  }
0x11: {  	[smem:$0x3FB7] =	sst s9;
	s0 =	simm.s32 @!p0 $0x0  }
0x12: {  	s1 =	sld [smem:$0x3F9D];
	s0 =	simm.s32 @p0 $0x1  }
0x13: {  	[smem:$0x3FB8] =	sst s0;
	s0 =	simm.s32 @!p1 $0x0  }
0x14: {  	s2 =	sld [smem:$0x3F9C];
	s0 =	simm.s32 @p1 $0x1  }
0x15: {  	[smem:$0x3FB9] =	sst s0;
	s0 =	simm.s32 @!p2 $0x0  }
0x16: {  	s3 =	sld [smem:$0x3FDB];
	s0 =	simm.s32 @p2 $0x1  }
0x17: {  	s4 =	simm.s32 $0x1BF5;
	[smem:$0x3FBB] =	sst s0  }
0x18: {  	s0 =	sld [smem:$0x3F9E];
	_ =	swait.ge [sflag:s4], $0x0  }
0x19: {  	s7 =	sld [smem:$0x3F9F]  }
0x1a: {  	s8 =	sadd.s32 $0xFFFFE003, lr  }
0x1b: {  	s9 =	sadd.s32 $0xFFFFFEF7, lr;
	s5 =	simm.s32 $0xFFFFFFFF;
	p2 =	slt.u32 s8, $0xFFFFF086  }
0x1c: {  	p1 =	slt.u32 s9, $0xF7A;
	s5 =	simm.s32 @!p2 $0x0  }
0x1d: {  	s5 =	simm.s32 @p1 $0x1;
	p0 =	seq.s32 s7, s2  }
0x1e: {  	s7 =	smul.u32 @!p0 $0xF7A, s2;
	p2 =	seq.s32 @!p0 s5, $0x0  }
0x1f: {  	s9 =	smul.u32 $0xF7A, s1;
	s8 =	simm.s32 @!p0 $0x1BF5;
	p2 =	por !p2, p0  }
0x20: {  	[sflag:s8] =	ssyncset.s32 @!p0 $0xFFFFF086;
	s6 =	sadd.s32 @!p0 s3, s7;
	s7 =	simm.s32 @!p0 $0x108  }
0x21: {  	s3 =	sadd.s32 s3, s9;
	s6 =	sadd.s32 @!p0 $0x88, s6;
	s7 =	simm.s32 @p2 $0x1082  }
0x22: {  	[simem:s7], [sflag:s8] =	dma.local @!p0 [hbm:s6], $0xF7A  }
0x23: {  	s9 =	sor.u32 $0xD0000000, s2;
	s6 =	simm.s32 $0x108;
	_ =	swait.ge @!p0 [sflag:s8], $0x0  }
0x24: {  	s3 =	sadd.s32 $0x88, s3;
	s6 =	simm.s32 @!p1 $0x1082;
	[sflag:s4] =	ssyncset.s32 $0xFFFFF086  }
0x25: {  	[simem:s6], [sflag:s4] =	dma.local [hbm:s3], $0xF7A  }
0x26: {  	[smem:$0x3F9F] =	sst s1;
	(tag) =	ssettag s2;
	_ =	strace s9  }
0x27: {  	s1 =	sld [smem:$0x3FAF]  }
0x28: {  	s2 =	sld [smem:$0x3FB0]  }
0x29: {  	s4 =	sld [smem:$0x3FB2]  }
0x2a: {  	p0 =	seq.s32 s5, $0x0;
	s5 =	sld [smem:$0x3FB3]  }
0x2b: {  	s6 =	sld [smem:$0x3FB4]  }
0x2c: {  	s7 =	sld [smem:$0x3FB5]  }
0x2d: {  	s3 =	simm.s32 $0x108;
	s8 =	sld [smem:$0x3FB6]  }
0x2e: {  	s3 =	simm.s32 @!p0 $0x1082;
	s9 =	sld [smem:$0x3FB7]  }
0x2f: {  	lr =	sadd.s32 s0, s3;
	s0 =	sld [smem:$0x3FAE]  }
0x30: {  	s3 =	sld [smem:$0x3FB1]  }
0x31: {  	[smem:$0x3FBA] =	sst s10  }
0x32: {  	s10 =	sld [smem:$0x3FB8];
	_ =	sdelay $0x3  }
0x33: {  	p0 =	seq.s32 s10, $0x1;
	s10 =	sld [smem:$0x3FBA];
	_ =	sdelay $0x3  }
0x34: {  	[smem:$0x3FBA] =	sst s10  }
0x35: {  	s10 =	sld [smem:$0x3FB9];
	_ =	sdelay $0x3  }
0x36: {  	p1 =	seq.s32 s10, $0x1;
	s10 =	sld [smem:$0x3FBA];
	_ =	sdelay $0x3  }
0x37: {  	[smem:$0x3FBA] =	sst s10  }
0x38: {  	s10 =	sld [smem:$0x3FBB]  }
0x39: {  	_ = 	snop;
	(pc) =	sbr.ind lr, $3  }
0x3a: {  	_ = 	snop  }
0x3b: {  	_ = 	snop  }
0x3c: {  	p2 =	seq.s32 s10, $0x1;
	s10 =	sld [smem:$0x3FBA]  }
0x3d: {  	_ =	shalt  }
0x3e: {  	_ =	shalt  }
0x3f: {  	_ =	shalt  }
0x40: {  	_ =	shalt  }
0x41: {  	_ =	shalt  }
0x42: {  	_ =	shalt  }
0x43: {  	_ =	shalt  }
0x44: {  	_ =	shalt  }
0x45: {  	_ =	shalt  }
0x46: {  	_ =	shalt  }
0x47: {  	_ =	shalt  }
0x48: {  	_ =	shalt  }
0x49: {  	_ =	shalt  }
0x4a: {  	_ =	shalt  }
0x4b: {  	_ =	shalt  }
0x4c: {  	_ =	shalt  }
0x4d: {  	_ =	shalt  }
0x4e: {  	_ =	shalt  }
0x4f: {  	_ =	shalt  }
0x50: {  	_ =	shalt  }
0x51: {  	_ =	shalt  }
0x52: {  	_ =	shalt  }
0x53: {  	_ =	shalt  }
0x54: {  	_ =	shalt  }
0x55: {  	_ =	shalt  }
0x56: {  	_ =	shalt  }
0x57: {  	_ =	shalt  }
0x58: {  	_ =	shalt  }
0x59: {  	_ =	shalt  }
0x5a: {  	_ =	shalt  }
0x5b: {  	_ =	shalt  }
0x5c: {  	_ =	shalt  }
0x5d: {  	_ =	shalt  }
0x5e: {  	_ =	shalt  }
0x5f: {  	_ =	shalt  }
0x60: {  	_ =	shalt  }
0x61: {  	_ =	shalt  }
0x62: {  	_ =	shalt  }
0x63: {  	_ =	shalt  }
0x64: {  	_ =	shalt  }
0x65: {  	_ =	shalt  }
0x66: {  	_ =	shalt  }
0x67: {  	_ =	shalt  }
0x68: {  	_ =	shalt  }
0x69: {  	_ =	shalt  }
0x6a: {  	_ =	shalt  }
0x6b: {  	_ =	shalt  }
0x6c: {  	_ =	shalt  }
0x6d: {  	_ =	shalt  }
0x6e: {  	_ =	shalt  }
0x6f: {  	_ =	shalt  }
0x70: {  	_ =	shalt  }
0x71: {  	_ =	shalt  }
0x72: {  	_ =	shalt  }
0x73: {  	_ =	shalt  }
0x74: {  	_ =	shalt  }
0x75: {  	_ =	shalt  }
0x76: {  	_ =	shalt  }
0x77: {  	_ =	shalt  }
0x78: {  	_ =	shalt  }
0x79: {  	_ =	shalt  }
0x7a: {  	_ =	shalt  }
0x7b: {  	_ =	shalt  }
0x7c: {  	_ =	shalt  }
0x7d: {  	_ =	shalt  }
0x7e: {  	_ =	shalt  }
0x7f: {  	_ =	shalt  }
0x80: {  	_ =	shalt  }
0x81: {  	_ =	shalt  }
0x82: {  	_ =	shalt  }
0x83: {  	_ =	shalt  }
0x84: {  	_ =	shalt  }
0x85: {  	_ =	shalt  }
0x86: {  	_ =	shalt  }
0x87: {  	_ =	shalt  }
.Lfunc_end0:
.L_simem_size_0:
called_computation_lowered:
.L_overlay_start_0:
0x88: {  	s2 =	sld [smem:$0x3FD9]  }
0x89: {  	s3 =	sld [smem:$0x3FFE];
	_ =	sdelay $0x1  }
0x8a: {  	s1 =	srdreg.scid  }
0x8b: {  	s0 =	sand.u32 $0x1, s1  }
0x8c: {  	s17 =	sshll.u32 s0, $0xA;
	s2 =	sadd.s32 s3, s2  }
0x8d: {  	s2 =	sadd.s32 s2, s17  }
0x8e: {  	[smem:$0x3FC6] =	sst s2  }
0x8f: {  	_ = 	snop  }
0x90: {  	s2 =	sld [smem:$0x3FC9]  }
0x91: {  	s18 =	sld [smem:$0x3FD0];
	(tm) =	ssettm $0x1  }
0x92: {  	s4 =	sld [smem:$0x3FFB];
	_ =	sdelay $0x3  }
0x93: {  	_ =	strace s4  }
0x94: {  	s4 =	sld [smem:$0x3FFC];
	_ =	sdelay $0x3  }
0x95: {  	_ =	strace s4  }
0x96: {  	s4 =	sld [smem:$0x3FFD];
	_ =	sdelay $0x3  }
0x97: {  	_ =	strace s4  }
0x98: {  	_ =	strace $0x8FFFFFFF  }
0x99: {  	s19 =	sld [smem:$0x3FDB];
	_ =	sdelay $0x1  }
0x9a: {  	s5 =	simm.s32 $_scs_section_size  }
0x9b: {  	s6 =	simm.s32 $_size__tile_overlayer_lowered;
	s7 =	simm.s32 $_tile_overlayer_lowered  }
0x9c: {  	s22 =	simm.s32 $0x1BFF;
	s21 =	sshll.u32 s7, $0x1;
	s4 =	sadd.s32 s5, s19  }
0x9d: {  	s8 =	simm.s32 $0x0;
	s20 =	sshll.u32 s6, $0x1;
	s6 =	sadd.s32 s21, s4  }
0x9e: {  	[timem:s8], [sflag:s22] =	dma.local [hbm:s6], s20  }
0x9f: {  	_ =	swait.ge [sflag:s22], s20  }
0xa0: {  	s5 =	ssub.s32 $0x0, s20;
	[sflag:s22] =	ssyncset.done $0x0  }
0xa1: {  	[sflag:s22] =	ssyncadd.s32 s5;
	_ =	sdelay $0x1  }
0xa2: {  	s23 =	simm.s32 $0x1B8B  }
0xa3: {  	_ =	swait.ge [sflag:s23], $0x1  }
0xa4: {  	[sflag:s23] =	ssyncset.done $0x0  }
0xa5: {  	s25 =	simm.s32 $0x1B8E;
	s24 =	sld [smem:$0x3FFE];
	[sflag:s23] =	ssyncadd.s32 $0xFFFFFFFF  }
0xa6: {  	s26 =	simm.s32 $execute0_lowered;
	[smem:$0x3FD2] =	sst s25  }
0xa7: {  	s6 =	sshll.u32 s26, $0x1;
	_ =	strace $0x80000046;
	[dreg:$0x1] =	wrdreg $0xFFFFFFFF  }
0xa8: {  	s28 =	simm.s32 $_size_execute0_lowered;
	s4 =	sadd.s32 s4, s6;
	[dreg:$0x0] =	wrdreg $0x0  }
0xa9: {  	s6 =	sshll.u32 s28, $0x1;
	[dreg:$0x2] =	wrdreg s4  }
0xaa: {  	[dreg:$0x3] =	wrdreg s6  }
0xab: {  	[dreg:$0x4] =	wrdreg $0xC0  }
0xac: {  	_ =	task [dreg:s8], $0x5FFFF  }
0xad: {  	[dreg:$0x1] =	wrdreg $0xFFFFFFFF  }
0xae: {  	[dreg:$0x0] =	wrdreg $0x60  }
0xaf: {  	[dreg:$0x2] =	wrdreg s2  }
0xb0: {  	[dreg:$0x3] =	wrdreg s24  }
0xb1: {  	[dreg:$0x4] =	wrdreg s18  }
0xb2: {  	[dreg:$0x5] =	wrdreg $0x9  }
0xb3: {  	_ =	task.clear_ibuf [dreg:s8], $0x6FFFF;
	_ =	strace $0x90000046  }
0xb4: {  	s29 =	simm.s32 $0x9;
	_ =	strace $0x80000048  }
0xb5: {  	_ =	swait.ge [sflag:s29], $0x1  }
0xb6: {  	[sflag:s29] =	ssyncadd.s32 $0xFFFFFFFF  }
0xb7: {  	_ =	strace $0x90000048  }
0xb8: {  	_ =	sfence  }
0xb9: {  	s30 =	sld [smem:$0x0];
	_ =	sdelay $0x2  }
0xba: {  	s31 =	sshll.u32 s1, $0xD;
	s1 =	sshrl.u32 s1, $0x2  }
0xbb: {  	s3 =	sand.u32 $0x4000, s31;
	s1 =	sadd.s32 s1, s30  }
0xbc: {  	s0 =	sor.u32 s3, s0;
	s1 =	sshll.u32 s1, $0x11  }
0xbd: {  	s0 =	sor.u32 s1, s0  }
0xbe: {  	s0 =	sadd.s32 $0x8F2B, s0  }
0xbf: {  	[sflag:s0] =	ssyncadd.remote.s32 $0x1  }
0xc0: {  	_ =	sfence.sel $0xFFFF  }
0xc1: {  	[dreg:$0x0] =	wrdreg $0xFFFFFFFF;
	(pc) =	sbr.abs _section_cstart, $3  }
0xc2: {  	[dreg:$0x1] =	wrdreg $0xFFFFFFFF  }
0xc3: {  	_ =	task.clear_ibuf [dreg:s8], $0x2FFFF;
	_ =	strace $0x9FFFFFFF  }
0xc4: {  	(tm) =	ssettm $0x7FFFFFFF  }
0xc5: {  	_ =	shalt  }
tec
execute0_lowered:
.L_overlay_start_1:
0x0: {  	(tag) =	ssettag $0x1  }
0x1: {  	s0 =	rddreg [dreg:$0x0]  }
0x2: {  	s1 =	rddreg [dreg:$0x2]  }
0x3: {  	s2 =	srdreg.scid;
	s3 =	stileid.u32;
	s18 =	simm.s32 $0x2000  }
0x4: {  	s20 =	simm.s32 $0x9;
	s21 =	simm.s32 $0x4000;
	s22 =	simm.s32 $0x1  }
0x5: {  	s28 =	simm.s32 $0x6;
	s29 =	simm.s32 $0x4;
	s30 =	simm.s32 $0x7  }
0x6: {  	s31 =	simm.s32 $0x8;
	s2 =	sand.u32 $0x1, s2;
	s4 =	sshll.u32 s3, $0x1  }
0x7: {  	s3 =	simm.s32 $0x0;
	s5 =	ssub.s32 $0x2, s2;
	s6 =	sor.u32 s2, s4  }
0x8: {  	[smem:$0x7FF] =	sst s3;
	p0 =	seq.s32 s2, $0x1;
	s8 =	smul.u32 $0x1800, s6  }
0x9: {  	s4 =	simm.s32 $0x30;
	s7 =	sshrl.u32 s5, $0x1;
	s23 =	smul.u32 $0xC000, s6  }
0xa: {  	_ =	strace $0x80000047;
	s4 =	simm.s32 @!p0 $0x0;
	s17 =	ssub.s32 s5, s7  }
0xb: {  	s24 =	sadd.s32 s0, s8;
	s10 =	sor.u32 $0x400, s8;
	s2 =	sshrl.u32 s23, $0x3  }
0xc: {  	s8 =	sadd.s32 s1, s8;
	s17 =	smax.u32 s17, $0x1;
	s23 =	simm.s32 $0x6000  }
0xd: {  	[dreg:$0x4] =	wrdreg s24;
	s25 =	sadd.s32 s0, s10;
	s12 =	sadd.s32 $0x800, s2  }
0xe: {  	s14 =	sadd.s32 $0xC00, s2;
	s10 =	sadd.s32 s1, s10;
	s15 =	sadd.s32 $0x1000, s2  }
0xf: {  	s2 =	sadd.s32 $0x1400, s2;
	s24 =	simm.s32 $0x2;
	[dreg:$0x5] =	wrdreg s25  }
0x10: {  	s26 =	sadd.s32 s0, s12;
	s9 =	sadd.s32 s0, s14;
	s11 =	sadd.s32 s0, s15  }
0x11: {  	s12 =	sadd.s32 s1, s12;
	s13 =	sadd.s32 s0, s2;
	s14 =	sadd.s32 s1, s14  }
0x12: {  	s15 =	sadd.s32 s1, s15;
	s16 =	sadd.s32 s1, s2;
	s25 =	simm.s32 $0x5  }
0x13: {  	s0 =	simm.s32 $0x0;
	[dreg:$0x6] =	wrdreg s26;
	s26 =	simm.s32 $0x3  }
.LBB2_1:
0x14: {  	s1 =	rddreg [dreg:$0x4]  }
0x15: {  	[tilespmem:s3], [sflag:$0x1] =	stream.linear.gather [hbm4b:s1+s3], $0x2000, $0x38;
	[tilespmem:$0x9880] =	vst v63  }
0x16: {  	s7 =	rddreg [dreg:$0x5]  }
0x17: {  	[tilespmem:s18], [sflag:$0x2] =	stream.linear.gather [hbm4b:s7+s3], $0x2000, $0x38;
	[tilespmem:$0x9880] =	vst v63  }
0x18: {  	s19 =	rddreg [dreg:$0x1];
	s2 =	simm.s32 $0x8000  }
0x19: {  	[tilespmem:s2], [sflag:$0x9] =	stream.linear.gather [hbm4b:s19+s3], $0x80, $0x38;
	[tilespmem:$0x9880] =	vst v63  }
0x1a: {  	_ =	swait.ge [sflag:s20], $0x80  }
0x1b: {  	[sflag:s20] =	ssyncset.done $0x0  }
0x1c: {  	[sflag:s20] =	ssyncadd.s32 $0xFFFFFF80  }
0x1d: {  	v0 =	vld [tilespmem:s4+$0x8000];
	_ =	sdelay $0x4  }
0x1e: {  	v1 =	vbroadcast v0, $0x0  }
0x1f: {  	v2 =	vbroadcast v0, $0x1  }
0x20: {  	[tilespmem:$0x8080] =	vst v1;
	v1 =	vbroadcast v0, $0x2  }
0x21: {  	[tilespmem:$0x8100] =	vst v2;
	v2 =	vbroadcast v0, $0x3  }
0x22: {  	[tilespmem:$0x8180] =	vst v1;
	v1 =	vbroadcast v0, $0x4  }
0x23: {  	[tilespmem:$0x8200] =	vst v2;
	v2 =	vbroadcast v0, $0x5  }
0x24: {  	[tilespmem:$0x8280] =	vst v1;
	v1 =	vbroadcast v0, $0x6  }
0x25: {  	[tilespmem:$0x8300] =	vst v2;
	v2 =	vbroadcast v0, $0x7  }
0x26: {  	[tilespmem:$0x8380] =	vst v1;
	v1 =	vbroadcast v0, $0x8  }
0x27: {  	[tilespmem:$0x8400] =	vst v2;
	v2 =	vbroadcast v0, $0x9  }
0x28: {  	[tilespmem:$0x8480] =	vst v1;
	v1 =	vbroadcast v0, $0xA  }
0x29: {  	[tilespmem:$0x8500] =	vst v2;
	v2 =	vbroadcast v0, $0xB  }
0x2a: {  	[tilespmem:$0x8580] =	vst v1;
	v1 =	vbroadcast v0, $0xC  }
0x2b: {  	[tilespmem:$0x8600] =	vst v2;
	v2 =	vbroadcast v0, $0xD  }
0x2c: {  	[tilespmem:$0x8680] =	vst v1;
	v1 =	vbroadcast v0, $0xE  }
0x2d: {  	[tilespmem:$0x8700] =	vst v2;
	v0 =	vbroadcast v0, $0xF  }
0x2e: {  	[tilespmem:$0x8780] =	vst v1  }
0x2f: {  	[tilespmem:$0x8800] =	vst v0  }
0x30: {  	v0 =	vld [tilespmem:s4+$0x8010];
	_ =	sdelay $0x4  }
0x31: {  	v1 =	vbroadcast v0, $0x0  }
0x32: {  	v2 =	vbroadcast v0, $0x1  }
0x33: {  	[tilespmem:$0x8880] =	vst v1;
	v1 =	vbroadcast v0, $0x2  }
0x34: {  	[tilespmem:$0x8900] =	vst v2;
	v2 =	vbroadcast v0, $0x3  }
0x35: {  	[tilespmem:$0x8980] =	vst v1;
	v1 =	vbroadcast v0, $0x4  }
0x36: {  	[tilespmem:$0x8A00] =	vst v2;
	v2 =	vbroadcast v0, $0x5  }
0x37: {  	[tilespmem:$0x8A80] =	vst v1;
	v1 =	vbroadcast v0, $0x6  }
0x38: {  	[tilespmem:$0x8B00] =	vst v2;
	v2 =	vbroadcast v0, $0x7  }
0x39: {  	[tilespmem:$0x8B80] =	vst v1;
	v1 =	vbroadcast v0, $0x8  }
0x3a: {  	[tilespmem:$0x8C00] =	vst v2;
	v2 =	vbroadcast v0, $0x9  }
0x3b: {  	[tilespmem:$0x8C80] =	vst v1;
	v1 =	vbroadcast v0, $0xA  }
0x3c: {  	[tilespmem:$0x8D00] =	vst v2;
	v2 =	vbroadcast v0, $0xB  }
0x3d: {  	[tilespmem:$0x8D80] =	vst v1;
	v1 =	vbroadcast v0, $0xC  }
0x3e: {  	[tilespmem:$0x8E00] =	vst v2;
	v2 =	vbroadcast v0, $0xD  }
0x3f: {  	[tilespmem:$0x8E80] =	vst v1;
	v1 =	vbroadcast v0, $0xE  }
0x40: {  	[tilespmem:$0x8F00] =	vst v2;
	v0 =	vbroadcast v0, $0xF  }
0x41: {  	[tilespmem:$0x8F80] =	vst v1  }
0x42: {  	[tilespmem:$0x9000] =	vst v0  }
0x43: {  	v0 =	vld [tilespmem:s4+$0x8020];
	_ =	sdelay $0x4  }
0x44: {  	v1 =	vbroadcast v0, $0x0  }
0x45: {  	v2 =	vbroadcast v0, $0x1  }
0x46: {  	[tilespmem:$0x9080] =	vst v1;
	v1 =	vbroadcast v0, $0x2  }
0x47: {  	[tilespmem:$0x9100] =	vst v2;
	v2 =	vbroadcast v0, $0x3  }
0x48: {  	[tilespmem:$0x9180] =	vst v1;
	v1 =	vbroadcast v0, $0x4  }
0x49: {  	[tilespmem:$0x9200] =	vst v2;
	v2 =	vbroadcast v0, $0x5  }
0x4a: {  	[tilespmem:$0x9280] =	vst v1;
	v1 =	vbroadcast v0, $0x6  }
0x4b: {  	[tilespmem:$0x9300] =	vst v2;
	v2 =	vbroadcast v0, $0x7  }
0x4c: {  	[tilespmem:$0x9380] =	vst v1;
	v1 =	vbroadcast v0, $0x8  }
0x4d: {  	[tilespmem:$0x9400] =	vst v2;
	v2 =	vbroadcast v0, $0x9  }
0x4e: {  	[tilespmem:$0x9480] =	vst v1;
	v1 =	vbroadcast v0, $0xA  }
0x4f: {  	[tilespmem:$0x9500] =	vst v2;
	v2 =	vbroadcast v0, $0xB  }
0x50: {  	[tilespmem:$0x9580] =	vst v1;
	v1 =	vbroadcast v0, $0xC  }
0x51: {  	[tilespmem:$0x9600] =	vst v2;
	v2 =	vbroadcast v0, $0xD  }
0x52: {  	[tilespmem:$0x9680] =	vst v1;
	v1 =	vbroadcast v0, $0xE  }
0x53: {  	[tilespmem:$0x9700] =	vst v2;
	v0 =	vbroadcast v0, $0xF  }
0x54: {  	[tilespmem:$0x9780] =	vst v1  }
0x55: {  	s5 =	rddreg [dreg:$0x6];
	[tilespmem:$0x9800] =	vst v0  }
0x56: {  	[tilespmem:s21], [sflag:$0x3] =	stream.linear.gather [hbm4b:s5+s3], $0x2000, $0x38;
	[tilespmem:$0x9880] =	vst v63  }
0x57: {  	_ =	swait.ge [sflag:s22], $0x2000  }
0x58: {  	[sflag:s22] =	ssyncset.done $0x0  }
0x59: {  	[sflag:s22] =	ssyncadd.s32 $0xFFFFE000  }
0x5a: {  	v0 =	vld [tilespmem:$0x8080]  }
0x5b: {  	v1 =	vld [tilespmem:$0x8100]  }
0x5c: {  	v2 =	vld [tilespmem:$0x8180]  }
0x5d: {  	v3 =	vld [tilespmem:$0x8200]  }
0x5e: {  	v4 =	vld [tilespmem:$0x8280]  }
0x5f: {  	s6 =	sand.u32 $0x70, s3;
	s7 =	sand.u32 $0x1C00, s3;
	v5 =	vld [tilespmem:$0x8300]  }
0x60: {  	s1 =	sor.u32 s6, s7;
	v6 =	vld [tilespmem:$0x8380]  }
0x61: {  	v8 =	vld [tilespmem:s1+$0x300]  }
0x62: {  	v9 =	vld [tilespmem:s1+$0x100]  }
0x63: {  	v10 =	vld [tilespmem:s1+$0x180]  }
0x64: {  	v11 =	vld [tilespmem:s1+$0x280]  }
0x65: {  	v12 =	vld [tilespmem:s1+$0x80]  }
0x66: {  	v13 =	vld [tilespmem:s1+$0x200];
	v8 =	vadd.f32 v8, v6  }
0x67: {  	v14 =	vld [tilespmem:s1+$0x0];
	v9 =	vadd.f32 v9, v2  }
0x68: {  	v7 =	vld [tilespmem:$0x8400];
	v10 =	vadd.f32 v10, v3;
	[tilespmem:s1+$0x300] =	vst v8  }
0x69: {  	[tilespmem:s1+$0x100] =	vst v9;
	v8 =	vadd.f32 v11, v5  }
0x6a: {  	v9 =	vadd.f32 v12, v1;
	[tilespmem:s1+$0x180] =	vst v10  }
0x6b: {  	v10 =	vadd.f32 v13, v4;
	[tilespmem:s1+$0x280] =	vst v8  }
0x6c: {  	v8 =	vadd.f32 v14, v0;
	[tilespmem:s1+$0x80] =	vst v9  }
0x6d: {  	s19 =	sor.u32 s3, s3;
	[tilespmem:s1+$0x200] =	vst v10  }
0x6e: {  	s19 =	sor.u32 $0x380, s19;
	[tilespmem:s1+$0x0] =	vst v8  }
0x6f: {  	s2 =	simm.s32 $0x0;
	s1 =	simm.s32 $0x10;
	v8 =	vld [tilespmem:s19+$0x0]  }
.LBB2_2:
0x70: {  	p0 =	sne.s32 s1, $0x3F0  }
0x71: {  	s2 =	sadd.s32 $0x80, s2;
	s5 =	smov.u32 s1;
	s1 =	sadd.s32 $0x10, s1  }
0x72: {  	_ =	sdelay $0x2  }
0x73: {  	v8 =	vadd.f32 v8, v7;
	_ =	sdelay $0x1  }
0x74: {  	s6 =	sand.u32 $0x70, s5;
	s7 =	sand.u32 $0x1C00, s2;
	[tilespmem:s19+$0x0] =	vst v8  }
0x75: {  	s6 =	sor.u32 s6, s7  }
0x76: {  	v8 =	vld [tilespmem:s6+$0x300]  }
0x77: {  	v9 =	vld [tilespmem:s6+$0x100]  }
0x78: {  	v10 =	vld [tilespmem:s6+$0x180]  }
0x79: {  	v11 =	vld [tilespmem:s6+$0x280]  }
0x7a: {  	v12 =	vld [tilespmem:s6+$0x80]  }
0x7b: {  	v13 =	vld [tilespmem:s6+$0x200];
	v8 =	vadd.f32 v8, v6  }
0x7c: {  	v14 =	vld [tilespmem:s6+$0x0];
	v9 =	vadd.f32 v9, v2  }
0x7d: {  	v10 =	vadd.f32 v10, v3;
	[tilespmem:s6+$0x300] =	vst v8  }
0x7e: {  	[tilespmem:s6+$0x100] =	vst v9;
	v8 =	vadd.f32 v11, v5  }
0x7f: {  	v9 =	vadd.f32 v12, v1;
	[tilespmem:s6+$0x180] =	vst v10  }
.Ltmp0:
0x80: {  	v10 =	vadd.f32 v13, v4;
	[tilespmem:s6+$0x280] =	vst v8;
	(pc) =	sbr.rel @p0 .LBB2_2-.Ltmp0, $4  }
0x81: {  	v8 =	vadd.f32 v14, v0;
	[tilespmem:s6+$0x80] =	vst v9  }
0x82: {  	s5 =	sor.u32 s2, s5;
	[tilespmem:s6+$0x200] =	vst v10  }
0x83: {  	s19 =	sor.u32 $0x380, s5;
	[tilespmem:s6+$0x0] =	vst v8  }
0x84: {  	v8 =	vld [tilespmem:s19+$0x0]  }
0x85: {  	_ =	sdelay $0x3  }
0x86: {  	v0 =	vadd.f32 v8, v7;
	_ =	sdelay $0x1  }
0x87: {  	s1 =	simm.s32 $0x0;
	[tilespmem:s19+$0x0] =	vst v0  }
0x88: {  	[hbm4b:s8+s1] =	stream.linear.scatter [tilespmem:s1], [sflag:$0x5], $0x2000, $0x38;
	[tilespmem:$0x9880] =	vst v63  }
0x89: {  	_ = 	snop  }
0x8a: {  	[tilespmem:s23], [sflag:$0x4] =	stream.linear.gather [hbm4b:s9+s1], $0x2000, $0x38;
	[tilespmem:$0x9880] =	vst v63  }
0x8b: {  	_ =	swait.ge [sflag:s24], $0x2000  }
0x8c: {  	[sflag:s24] =	ssyncset.done $0x0  }
0x8d: {  	[sflag:s24] =	ssyncadd.s32 $0xFFFFE000  }
0x8e: {  	v0 =	vld [tilespmem:$0x8480]  }
0x8f: {  	v1 =	vld [tilespmem:$0x8500]  }
0x90: {  	v2 =	vld [tilespmem:$0x8580]  }
0x91: {  	v3 =	vld [tilespmem:$0x8600]  }
0x92: {  	v4 =	vld [tilespmem:$0x8680]  }
0x93: {  	s2 =	sand.u32 $0x70, s1;
	s5 =	sand.u32 $0x1C00, s1;
	v5 =	vld [tilespmem:$0x8700]  }
0x94: {  	s2 =	sor.u32 s2, s5;
	v6 =	vld [tilespmem:$0x8780]  }
0x95: {  	v8 =	vld [tilespmem:s2+$0x2300]  }
0x96: {  	v9 =	vld [tilespmem:s2+$0x2100]  }
0x97: {  	v10 =	vld [tilespmem:s2+$0x2180]  }
0x98: {  	v11 =	vld [tilespmem:s2+$0x2280]  }
0x99: {  	v12 =	vld [tilespmem:s2+$0x2080]  }
0x9a: {  	v13 =	vld [tilespmem:s2+$0x2200];
	v8 =	vadd.f32 v8, v6  }
0x9b: {  	v14 =	vld [tilespmem:s2+$0x2000];
	v9 =	vadd.f32 v9, v2  }
0x9c: {  	v7 =	vld [tilespmem:$0x8800];
	v10 =	vadd.f32 v10, v3;
	[tilespmem:s2+$0x2300] =	vst v8  }
0x9d: {  	[tilespmem:s2+$0x2100] =	vst v9;
	v8 =	vadd.f32 v11, v5  }
0x9e: {  	v9 =	vadd.f32 v12, v1;
	[tilespmem:s2+$0x2180] =	vst v10  }
0x9f: {  	v10 =	vadd.f32 v13, v4;
	[tilespmem:s2+$0x2280] =	vst v8  }
0xa0: {  	v8 =	vadd.f32 v14, v0;
	[tilespmem:s2+$0x2080] =	vst v9  }
0xa1: {  	s19 =	sor.u32 s1, s1;
	[tilespmem:s2+$0x2200] =	vst v10  }
0xa2: {  	s19 =	sor.u32 $0x380, s19;
	[tilespmem:s2+$0x2000] =	vst v8  }
0xa3: {  	s2 =	simm.s32 $0x10;
	v8 =	vld [tilespmem:s19+$0x2000]  }
.LBB2_4:
0xa4: {  	p0 =	sne.s32 s2, $0x3F0  }
0xa5: {  	s1 =	sadd.s32 $0x80, s1;
	s5 =	smov.u32 s2;
	s2 =	sadd.s32 $0x10, s2  }
0xa6: {  	_ =	sdelay $0x2  }
0xa7: {  	v8 =	vadd.f32 v8, v7;
	_ =	sdelay $0x1  }
0xa8: {  	s6 =	sand.u32 $0x70, s5;
	s7 =	sand.u32 $0x1C00, s1;
	[tilespmem:s19+$0x2000] =	vst v8  }
0xa9: {  	s6 =	sor.u32 s6, s7  }
0xaa: {  	v8 =	vld [tilespmem:s6+$0x2300]  }
0xab: {  	v9 =	vld [tilespmem:s6+$0x2100]  }
0xac: {  	v10 =	vld [tilespmem:s6+$0x2180]  }
0xad: {  	v11 =	vld [tilespmem:s6+$0x2280]  }
0xae: {  	v12 =	vld [tilespmem:s6+$0x2080]  }
0xaf: {  	v13 =	vld [tilespmem:s6+$0x2200];
	v8 =	vadd.f32 v8, v6  }
0xb0: {  	v14 =	vld [tilespmem:s6+$0x2000];
	v9 =	vadd.f32 v9, v2  }
0xb1: {  	v10 =	vadd.f32 v10, v3;
	[tilespmem:s6+$0x2300] =	vst v8  }
0xb2: {  	[tilespmem:s6+$0x2100] =	vst v9;
	v8 =	vadd.f32 v11, v5  }
0xb3: {  	v9 =	vadd.f32 v12, v1;
	[tilespmem:s6+$0x2180] =	vst v10  }
.Ltmp1:
0xb4: {  	v10 =	vadd.f32 v13, v4;
	[tilespmem:s6+$0x2280] =	vst v8;
	(pc) =	sbr.rel @p0 .LBB2_4-.Ltmp1, $4  }
0xb5: {  	v8 =	vadd.f32 v14, v0;
	[tilespmem:s6+$0x2080] =	vst v9  }
0xb6: {  	s5 =	sor.u32 s1, s5;
	[tilespmem:s6+$0x2200] =	vst v10  }
0xb7: {  	s19 =	sor.u32 $0x380, s5;
	[tilespmem:s6+$0x2000] =	vst v8  }
0xb8: {  	v8 =	vld [tilespmem:s19+$0x2000]  }
0xb9: {  	_ =	sdelay $0x3  }
0xba: {  	v0 =	vadd.f32 v8, v7;
	_ =	sdelay $0x1  }
0xbb: {  	s1 =	simm.s32 $0x0;
	[tilespmem:s19+$0x2000] =	vst v0  }
0xbc: {  	[hbm4b:s10+s1] =	stream.linear.scatter [tilespmem:s18], [sflag:$0x6], $0x2000, $0x38;
	[tilespmem:$0x9880] =	vst v63  }
0xbd: {  	_ =	swait.ge [sflag:s25], $0x2000  }
0xbe: {  	[sflag:s25] =	ssyncset.done $0x0  }
0xbf: {  	[sflag:s25] =	ssyncadd.s32 $0xFFFFE000  }
0xc0: {  	[tilespmem:s1], [sflag:$0x1] =	stream.linear.gather [hbm4b:s11+s1], $0x2000, $0x38;
	[tilespmem:$0x9880] =	vst v63  }
0xc1: {  	_ =	swait.ge [sflag:s26], $0x2000  }
0xc2: {  	[sflag:s26] =	ssyncset.done $0x0  }
0xc3: {  	[sflag:s26] =	ssyncadd.s32 $0xFFFFE000  }
0xc4: {  	v0 =	vld [tilespmem:$0x8880]  }
0xc5: {  	v1 =	vld [tilespmem:$0x8900]  }
0xc6: {  	v2 =	vld [tilespmem:$0x8980]  }
0xc7: {  	v3 =	vld [tilespmem:$0x8A00]  }
0xc8: {  	v4 =	vld [tilespmem:$0x8A80]  }
0xc9: {  	s2 =	sand.u32 $0x70, s1;
	s5 =	sand.u32 $0x1C00, s1;
	v5 =	vld [tilespmem:$0x8B00]  }
0xca: {  	s2 =	sor.u32 s2, s5;
	v6 =	vld [tilespmem:$0x8B80]  }
0xcb: {  	v8 =	vld [tilespmem:s2+$0x4300]  }
0xcc: {  	v9 =	vld [tilespmem:s2+$0x4100]  }
0xcd: {  	v10 =	vld [tilespmem:s2+$0x4180]  }
0xce: {  	v11 =	vld [tilespmem:s2+$0x4280]  }
0xcf: {  	v12 =	vld [tilespmem:s2+$0x4080]  }
0xd0: {  	v13 =	vld [tilespmem:s2+$0x4200];
	v8 =	vadd.f32 v8, v6  }
0xd1: {  	v14 =	vld [tilespmem:s2+$0x4000];
	v9 =	vadd.f32 v9, v2  }
0xd2: {  	v7 =	vld [tilespmem:$0x8C00];
	v10 =	vadd.f32 v10, v3;
	[tilespmem:s2+$0x4300] =	vst v8  }
0xd3: {  	[tilespmem:s2+$0x4100] =	vst v9;
	v8 =	vadd.f32 v11, v5  }
0xd4: {  	v9 =	vadd.f32 v12, v1;
	[tilespmem:s2+$0x4180] =	vst v10  }
0xd5: {  	v10 =	vadd.f32 v13, v4;
	[tilespmem:s2+$0x4280] =	vst v8  }
0xd6: {  	v8 =	vadd.f32 v14, v0;
	[tilespmem:s2+$0x4080] =	vst v9  }
0xd7: {  	s19 =	sor.u32 s1, s1;
	[tilespmem:s2+$0x4200] =	vst v10  }
0xd8: {  	s19 =	sor.u32 $0x380, s19;
	[tilespmem:s2+$0x4000] =	vst v8  }
0xd9: {  	s2 =	simm.s32 $0x10;
	v8 =	vld [tilespmem:s19+$0x4000]  }
.LBB2_6:
0xda: {  	p0 =	sne.s32 s2, $0x3F0  }
0xdb: {  	s1 =	sadd.s32 $0x80, s1;
	s5 =	smov.u32 s2;
	s2 =	sadd.s32 $0x10, s2  }
0xdc: {  	_ =	sdelay $0x2  }
0xdd: {  	v8 =	vadd.f32 v8, v7;
	_ =	sdelay $0x1  }
0xde: {  	s6 =	sand.u32 $0x70, s5;
	s7 =	sand.u32 $0x1C00, s1;
	[tilespmem:s19+$0x4000] =	vst v8  }
0xdf: {  	s6 =	sor.u32 s6, s7  }
0xe0: {  	v8 =	vld [tilespmem:s6+$0x4300]  }
0xe1: {  	v9 =	vld [tilespmem:s6+$0x4100]  }
0xe2: {  	v10 =	vld [tilespmem:s6+$0x4180]  }
0xe3: {  	v11 =	vld [tilespmem:s6+$0x4280]  }
0xe4: {  	v12 =	vld [tilespmem:s6+$0x4080]  }
0xe5: {  	v13 =	vld [tilespmem:s6+$0x4200];
	v8 =	vadd.f32 v8, v6  }
0xe6: {  	v14 =	vld [tilespmem:s6+$0x4000];
	v9 =	vadd.f32 v9, v2  }
0xe7: {  	v10 =	vadd.f32 v10, v3;
	[tilespmem:s6+$0x4300] =	vst v8  }
0xe8: {  	[tilespmem:s6+$0x4100] =	vst v9;
	v8 =	vadd.f32 v11, v5  }
0xe9: {  	v9 =	vadd.f32 v12, v1;
	[tilespmem:s6+$0x4180] =	vst v10  }
.Ltmp2:
0xea: {  	v10 =	vadd.f32 v13, v4;
	[tilespmem:s6+$0x4280] =	vst v8;
	(pc) =	sbr.rel @p0 .LBB2_6-.Ltmp2, $4  }
0xeb: {  	v8 =	vadd.f32 v14, v0;
	[tilespmem:s6+$0x4080] =	vst v9  }
0xec: {  	s5 =	sor.u32 s1, s5;
	[tilespmem:s6+$0x4200] =	vst v10  }
0xed: {  	s19 =	sor.u32 $0x380, s5;
	[tilespmem:s6+$0x4000] =	vst v8  }
0xee: {  	v8 =	vld [tilespmem:s19+$0x4000]  }
0xef: {  	_ =	sdelay $0x3  }
0xf0: {  	v0 =	vadd.f32 v8, v7;
	_ =	sdelay $0x1  }
0xf1: {  	s1 =	simm.s32 $0x0;
	[tilespmem:s19+$0x4000] =	vst v0  }
0xf2: {  	[hbm4b:s12+s1] =	stream.linear.scatter [tilespmem:s21], [sflag:$0x7], $0x2000, $0x38;
	[tilespmem:$0x9880] =	vst v63  }
0xf3: {  	_ =	swait.ge [sflag:s28], $0x2000  }
0xf4: {  	[sflag:s28] =	ssyncset.done $0x0  }
0xf5: {  	[sflag:s28] =	ssyncadd.s32 $0xFFFFE000  }
0xf6: {  	[tilespmem:s18], [sflag:$0x2] =	stream.linear.gather [hbm4b:s13+s1], $0x2000, $0x38;
	[tilespmem:$0x9880] =	vst v63  }
0xf7: {  	_ =	swait.ge [sflag:s29], $0x2000  }
0xf8: {  	[sflag:s29] =	ssyncset.done $0x0  }
0xf9: {  	[sflag:s29] =	ssyncadd.s32 $0xFFFFE000  }
0xfa: {  	v0 =	vld [tilespmem:$0x8C80]  }
0xfb: {  	v1 =	vld [tilespmem:$0x8D00]  }
0xfc: {  	v2 =	vld [tilespmem:$0x8D80]  }
0xfd: {  	v3 =	vld [tilespmem:$0x8E00]  }
0xfe: {  	v4 =	vld [tilespmem:$0x8E80]  }
0xff: {  	s2 =	sand.u32 $0x70, s1;
	s5 =	sand.u32 $0x1C00, s1;
	v5 =	vld [tilespmem:$0x8F00]  }
0x100: {  	s2 =	sor.u32 s2, s5;
	v6 =	vld [tilespmem:$0x8F80]  }
0x101: {  	v8 =	vld [tilespmem:s2+$0x6300]  }
0x102: {  	v9 =	vld [tilespmem:s2+$0x6100]  }
0x103: {  	v10 =	vld [tilespmem:s2+$0x6180]  }
0x104: {  	v11 =	vld [tilespmem:s2+$0x6280]  }
0x105: {  	v12 =	vld [tilespmem:s2+$0x6080]  }
0x106: {  	v13 =	vld [tilespmem:s2+$0x6200];
	v8 =	vadd.f32 v8, v6  }
0x107: {  	v14 =	vld [tilespmem:s2+$0x6000];
	v9 =	vadd.f32 v9, v2  }
0x108: {  	v7 =	vld [tilespmem:$0x9000];
	v10 =	vadd.f32 v10, v3;
	[tilespmem:s2+$0x6300] =	vst v8  }
0x109: {  	[tilespmem:s2+$0x6100] =	vst v9;
	v8 =	vadd.f32 v11, v5  }
0x10a: {  	v9 =	vadd.f32 v12, v1;
	[tilespmem:s2+$0x6180] =	vst v10  }
0x10b: {  	v10 =	vadd.f32 v13, v4;
	[tilespmem:s2+$0x6280] =	vst v8  }
0x10c: {  	v8 =	vadd.f32 v14, v0;
	[tilespmem:s2+$0x6080] =	vst v9  }
0x10d: {  	s19 =	sor.u32 s1, s1;
	[tilespmem:s2+$0x6200] =	vst v10  }
0x10e: {  	s19 =	sor.u32 $0x380, s19;
	[tilespmem:s2+$0x6000] =	vst v8  }
0x10f: {  	s2 =	simm.s32 $0x10;
	v8 =	vld [tilespmem:s19+$0x6000]  }
.LBB2_8:
0x110: {  	p0 =	sne.s32 s2, $0x3F0  }
0x111: {  	s1 =	sadd.s32 $0x80, s1;
	s5 =	smov.u32 s2;
	s2 =	sadd.s32 $0x10, s2  }
0x112: {  	_ =	sdelay $0x2  }
0x113: {  	v8 =	vadd.f32 v8, v7;
	_ =	sdelay $0x1  }
0x114: {  	s6 =	sand.u32 $0x70, s5;
	s7 =	sand.u32 $0x1C00, s1;
	[tilespmem:s19+$0x6000] =	vst v8  }
0x115: {  	s6 =	sor.u32 s6, s7  }
0x116: {  	v8 =	vld [tilespmem:s6+$0x6300]  }
0x117: {  	v9 =	vld [tilespmem:s6+$0x6100]  }
0x118: {  	v10 =	vld [tilespmem:s6+$0x6180]  }
0x119: {  	v11 =	vld [tilespmem:s6+$0x6280]  }
0x11a: {  	v12 =	vld [tilespmem:s6+$0x6080]  }
0x11b: {  	v13 =	vld [tilespmem:s6+$0x6200];
	v8 =	vadd.f32 v8, v6  }
0x11c: {  	v14 =	vld [tilespmem:s6+$0x6000];
	v9 =	vadd.f32 v9, v2  }
0x11d: {  	v10 =	vadd.f32 v10, v3;
	[tilespmem:s6+$0x6300] =	vst v8  }
0x11e: {  	[tilespmem:s6+$0x6100] =	vst v9;
	v8 =	vadd.f32 v11, v5  }
0x11f: {  	v9 =	vadd.f32 v12, v1;
	[tilespmem:s6+$0x6180] =	vst v10  }
.Ltmp3:
0x120: {  	v10 =	vadd.f32 v13, v4;
	[tilespmem:s6+$0x6280] =	vst v8;
	(pc) =	sbr.rel @p0 .LBB2_8-.Ltmp3, $4  }
0x121: {  	v8 =	vadd.f32 v14, v0;
	[tilespmem:s6+$0x6080] =	vst v9  }
0x122: {  	s5 =	sor.u32 s1, s5;
	[tilespmem:s6+$0x6200] =	vst v10  }
0x123: {  	s19 =	sor.u32 $0x380, s5;
	[tilespmem:s6+$0x6000] =	vst v8  }
0x124: {  	v8 =	vld [tilespmem:s19+$0x6000]  }
0x125: {  	_ =	sdelay $0x3  }
0x126: {  	v0 =	vadd.f32 v8, v7;
	_ =	sdelay $0x1  }
0x127: {  	s1 =	simm.s32 $0x0;
	[tilespmem:s19+$0x6000] =	vst v0  }
0x128: {  	[hbm4b:s14+s1] =	stream.linear.scatter [tilespmem:s23], [sflag:$0x8], $0x2000, $0x38;
	[tilespmem:$0x9880] =	vst v63  }
0x129: {  	_ =	swait.ge [sflag:s22], $0x2000  }
0x12a: {  	[sflag:s22] =	ssyncset.done $0x0  }
0x12b: {  	[sflag:s22] =	ssyncadd.s32 $0xFFFFE000  }
0x12c: {  	v0 =	vld [tilespmem:$0x9080]  }
0x12d: {  	v1 =	vld [tilespmem:$0x9100]  }
0x12e: {  	v2 =	vld [tilespmem:$0x9180]  }
0x12f: {  	v3 =	vld [tilespmem:$0x9200]  }
0x130: {  	v4 =	vld [tilespmem:$0x9280]  }
0x131: {  	s2 =	sand.u32 $0x70, s1;
	s5 =	sand.u32 $0x1C00, s1;
	v5 =	vld [tilespmem:$0x9300]  }
0x132: {  	s2 =	sor.u32 s2, s5;
	v6 =	vld [tilespmem:$0x9380]  }
0x133: {  	v8 =	vld [tilespmem:s2+$0x300]  }
0x134: {  	v9 =	vld [tilespmem:s2+$0x100]  }
0x135: {  	v10 =	vld [tilespmem:s2+$0x180]  }
0x136: {  	v11 =	vld [tilespmem:s2+$0x280]  }
0x137: {  	v12 =	vld [tilespmem:s2+$0x80]  }
0x138: {  	v13 =	vld [tilespmem:s2+$0x200];
	v8 =	vadd.f32 v8, v6  }
0x139: {  	v14 =	vld [tilespmem:s2+$0x0];
	v9 =	vadd.f32 v9, v2  }
0x13a: {  	v7 =	vld [tilespmem:$0x9400];
	v10 =	vadd.f32 v10, v3;
	[tilespmem:s2+$0x300] =	vst v8  }
0x13b: {  	[tilespmem:s2+$0x100] =	vst v9;
	v8 =	vadd.f32 v11, v5  }
0x13c: {  	v9 =	vadd.f32 v12, v1;
	[tilespmem:s2+$0x180] =	vst v10  }
0x13d: {  	v10 =	vadd.f32 v13, v4;
	[tilespmem:s2+$0x280] =	vst v8  }
0x13e: {  	v8 =	vadd.f32 v14, v0;
	[tilespmem:s2+$0x80] =	vst v9  }
0x13f: {  	s19 =	sor.u32 s1, s1;
	[tilespmem:s2+$0x200] =	vst v10  }
0x140: {  	s19 =	sor.u32 $0x380, s19;
	[tilespmem:s2+$0x0] =	vst v8  }
0x141: {  	s2 =	simm.s32 $0x10;
	v8 =	vld [tilespmem:s19+$0x0]  }
.LBB2_10:
0x142: {  	p0 =	sne.s32 s2, $0x3F0  }
0x143: {  	s1 =	sadd.s32 $0x80, s1;
	s5 =	smov.u32 s2;
	s2 =	sadd.s32 $0x10, s2  }
0x144: {  	_ =	sdelay $0x2  }
0x145: {  	v8 =	vadd.f32 v8, v7;
	_ =	sdelay $0x1  }
0x146: {  	s6 =	sand.u32 $0x70, s5;
	s7 =	sand.u32 $0x1C00, s1;
	[tilespmem:s19+$0x0] =	vst v8  }
0x147: {  	s6 =	sor.u32 s6, s7  }
0x148: {  	v8 =	vld [tilespmem:s6+$0x300]  }
0x149: {  	v9 =	vld [tilespmem:s6+$0x100]  }
0x14a: {  	v10 =	vld [tilespmem:s6+$0x180]  }
0x14b: {  	v11 =	vld [tilespmem:s6+$0x280]  }
0x14c: {  	v12 =	vld [tilespmem:s6+$0x80]  }
0x14d: {  	v13 =	vld [tilespmem:s6+$0x200];
	v8 =	vadd.f32 v8, v6  }
0x14e: {  	v14 =	vld [tilespmem:s6+$0x0];
	v9 =	vadd.f32 v9, v2  }
0x14f: {  	v10 =	vadd.f32 v10, v3;
	[tilespmem:s6+$0x300] =	vst v8  }
0x150: {  	[tilespmem:s6+$0x100] =	vst v9;
	v8 =	vadd.f32 v11, v5  }
0x151: {  	v9 =	vadd.f32 v12, v1;
	[tilespmem:s6+$0x180] =	vst v10  }
.Ltmp4:
0x152: {  	v10 =	vadd.f32 v13, v4;
	[tilespmem:s6+$0x280] =	vst v8;
	(pc) =	sbr.rel @p0 .LBB2_10-.Ltmp4, $4  }
0x153: {  	v8 =	vadd.f32 v14, v0;
	[tilespmem:s6+$0x80] =	vst v9  }
0x154: {  	s5 =	sor.u32 s1, s5;
	[tilespmem:s6+$0x200] =	vst v10  }
0x155: {  	s19 =	sor.u32 $0x380, s5;
	[tilespmem:s6+$0x0] =	vst v8  }
0x156: {  	v8 =	vld [tilespmem:s19+$0x0]  }
0x157: {  	_ =	sdelay $0x3  }
0x158: {  	v0 =	vadd.f32 v8, v7;
	_ =	sdelay $0x1  }
0x159: {  	s1 =	simm.s32 $0x0;
	[tilespmem:s19+$0x0] =	vst v0  }
0x15a: {  	[hbm4b:s15+s1] =	stream.linear.scatter [tilespmem:s1], [sflag:$0x5], $0x2000, $0x38;
	[tilespmem:$0x9880] =	vst v63  }
0x15b: {  	_ =	swait.ge [sflag:s24], $0x2000  }
0x15c: {  	[sflag:s24] =	ssyncset.done $0x0  }
0x15d: {  	[sflag:s24] =	ssyncadd.s32 $0xFFFFE000  }
0x15e: {  	v0 =	vld [tilespmem:$0x9480]  }
0x15f: {  	v1 =	vld [tilespmem:$0x9500]  }
0x160: {  	v2 =	vld [tilespmem:$0x9580]  }
0x161: {  	v3 =	vld [tilespmem:$0x9600]  }
0x162: {  	v4 =	vld [tilespmem:$0x9680]  }
0x163: {  	s2 =	sand.u32 $0x70, s1;
	s5 =	sand.u32 $0x1C00, s1;
	v5 =	vld [tilespmem:$0x9700]  }
0x164: {  	s2 =	sor.u32 s2, s5;
	v6 =	vld [tilespmem:$0x9780]  }
0x165: {  	v8 =	vld [tilespmem:s2+$0x2300]  }
0x166: {  	v9 =	vld [tilespmem:s2+$0x2100]  }
0x167: {  	v10 =	vld [tilespmem:s2+$0x2180]  }
0x168: {  	v11 =	vld [tilespmem:s2+$0x2280]  }
0x169: {  	v12 =	vld [tilespmem:s2+$0x2080]  }
0x16a: {  	v13 =	vld [tilespmem:s2+$0x2200];
	v8 =	vadd.f32 v8, v6  }
0x16b: {  	v14 =	vld [tilespmem:s2+$0x2000];
	v9 =	vadd.f32 v9, v2  }
0x16c: {  	v7 =	vld [tilespmem:$0x9800];
	v10 =	vadd.f32 v10, v3;
	[tilespmem:s2+$0x2300] =	vst v8  }
0x16d: {  	[tilespmem:s2+$0x2100] =	vst v9;
	v8 =	vadd.f32 v11, v5  }
0x16e: {  	v9 =	vadd.f32 v12, v1;
	[tilespmem:s2+$0x2180] =	vst v10  }
0x16f: {  	v10 =	vadd.f32 v13, v4;
	[tilespmem:s2+$0x2280] =	vst v8  }
0x170: {  	v8 =	vadd.f32 v14, v0;
	[tilespmem:s2+$0x2080] =	vst v9  }
0x171: {  	s19 =	sor.u32 s1, s1;
	[tilespmem:s2+$0x2200] =	vst v10  }
0x172: {  	s19 =	sor.u32 $0x380, s19;
	[tilespmem:s2+$0x2000] =	vst v8  }
0x173: {  	s2 =	simm.s32 $0x10;
	v8 =	vld [tilespmem:s19+$0x2000]  }
.LBB2_12:
0x174: {  	p0 =	sne.s32 s2, $0x3F0  }
0x175: {  	s1 =	sadd.s32 $0x80, s1;
	s5 =	smov.u32 s2;
	s2 =	sadd.s32 $0x10, s2  }
0x176: {  	_ =	sdelay $0x2  }
0x177: {  	v8 =	vadd.f32 v8, v7;
	_ =	sdelay $0x1  }
0x178: {  	s6 =	sand.u32 $0x70, s5;
	s7 =	sand.u32 $0x1C00, s1;
	[tilespmem:s19+$0x2000] =	vst v8  }
0x179: {  	s6 =	sor.u32 s6, s7  }
0x17a: {  	v8 =	vld [tilespmem:s6+$0x2300]  }
0x17b: {  	v9 =	vld [tilespmem:s6+$0x2100]  }
0x17c: {  	v10 =	vld [tilespmem:s6+$0x2180]  }
0x17d: {  	v11 =	vld [tilespmem:s6+$0x2280]  }
0x17e: {  	v12 =	vld [tilespmem:s6+$0x2080]  }
0x17f: {  	v13 =	vld [tilespmem:s6+$0x2200];
	v8 =	vadd.f32 v8, v6  }
0x180: {  	v14 =	vld [tilespmem:s6+$0x2000];
	v9 =	vadd.f32 v9, v2  }
0x181: {  	v10 =	vadd.f32 v10, v3;
	[tilespmem:s6+$0x2300] =	vst v8  }
0x182: {  	[tilespmem:s6+$0x2100] =	vst v9;
	v8 =	vadd.f32 v11, v5  }
0x183: {  	v9 =	vadd.f32 v12, v1;
	[tilespmem:s6+$0x2180] =	vst v10  }
.Ltmp5:
0x184: {  	v10 =	vadd.f32 v13, v4;
	[tilespmem:s6+$0x2280] =	vst v8;
	(pc) =	sbr.rel @p0 .LBB2_12-.Ltmp5, $4  }
0x185: {  	v8 =	vadd.f32 v14, v0;
	[tilespmem:s6+$0x2080] =	vst v9  }
0x186: {  	s5 =	sor.u32 s1, s5;
	[tilespmem:s6+$0x2200] =	vst v10  }
0x187: {  	s19 =	sor.u32 $0x380, s5;
	[tilespmem:s6+$0x2000] =	vst v8  }
0x188: {  	v8 =	vld [tilespmem:s19+$0x2000]  }
0x189: {  	_ =	sdelay $0x3  }
0x18a: {  	v0 =	vadd.f32 v8, v7;
	_ =	sdelay $0x1  }
0x18b: {  	[tilespmem:s19+$0x2000] =	vst v0  }
0x18c: {  	[hbm4b:s16+s3] =	stream.linear.scatter [tilespmem:s18], [sflag:$0x6], $0x2000, $0x38;
	[tilespmem:$0x9880] =	vst v63  }
0x18d: {  	_ =	swait.ge [sflag:s30], $0x2000  }
0x18e: {  	[sflag:s30] =	ssyncset.done $0x0  }
0x18f: {  	[sflag:s30] =	ssyncadd.s32 $0xFFFFE000  }
0x190: {  	_ =	swait.ge [sflag:s31], $0x2000  }
0x191: {  	[sflag:s31] =	ssyncset.done $0x0  }
0x192: {  	s0 =	sadd.s32 $0x1, s0;
	[sflag:s31] =	ssyncadd.s32 $0xFFFFE000  }
0x193: {  	p0 =	sne.s32 s0, s17;
	_ =	swait.ge [sflag:s25], $0x2000  }
.Ltmp6:
0x194: {  	[sflag:s25] =	ssyncset.done $0x0;
	(pc) =	sbr.rel @p0 .LBB2_1-.Ltmp6, $4  }
0x195: {  	[sflag:s25] =	ssyncadd.s32 $0xFFFFE000  }
0x196: {  	_ =	swait.ge [sflag:s28], $0x2000  }
0x197: {  	[sflag:s28] =	ssyncset.done $0x0  }
0x198: {  	[sflag:s28] =	ssyncadd.s32 $0xFFFFE000  }
0x199: {  	_ =	sfence.sel $0x180000  }
0x19a: {  	[bflag:$0x0] =	sbarrier.arrive $0xFFFF  }
0x19b: {  	_ =	strace $0x90000047  }
0x19c: {  	s0 =	stileid.u32;
	[bflag:$0x2] =	sbarrier.arrive $0xFFFF  }
0x19d: {  	p0 =	sne.s32 s0, $0x0;
	s0 =	rddreg [dreg:$0x3]  }
0x19e: {  	s0 =	sadd.s32 @!p0 $0x100000, s0  }
0x19f: {  	[sflag:s0] =	ssyncadd.tile.s32 @!p0 $0x1;
	_ =	shalt  }
.Lfunc_end2:
_tile_overlayer_lowered:
.L_overlay_start_2:
0x1a0: {  	(tag) =	ssettag $0x2  }
0x1a1: {  	s0 =	rddreg [dreg:$0x0];
	s2 =	stileid.u32  }
0x1a2: {  	s1 =	rddreg [dreg:$0x1];
	p0 =	sne.s32 s2, $0x0  }
0x1a3: {  	s3 =	rddreg [dreg:$0x2];
	[bflag:$0x3] =	sbarrier.arrive $0xFFFF;
	s2 =	simm.s32 @!p0 $0x1C09  }
0x1a4: {  	[timem:s3], [sflag:s2] =	dma.local @!p0 [hbm:s0], s1  }
0x1a5: {  	s0 =	simm.s32 @!p0 $0x9  }
0x1a6: {  	_ =	swait.ge @!p0 [sflag:s0], s1  }
0x1a7: {  	s1 =	ssub.s32 @!p0 $0x0, s1;
	[sflag:s0] =	ssyncset.done @!p0 $0x0  }
0x1a8: {  	[sflag:s0] =	ssyncadd.s32 @!p0 s1  }
0x1a9: {  	[bflag:$0x3] =	sbarrier.arrive $0xFFFF  }
0x1aa: {  	_ =	shalt  }

</sc_bundles>
